<compile_context>
chip_gen: v7x
topology: tpu7x:2x2x1
jax: 0.10.2.dev20260603
libtpu: 0.0.44.dev20260713+nightly
codegen_flags: <defaults>
</compile_context>

<pallas_src>
import functools

import jax
import jax.numpy as jnp
from jax import lax
from jax.experimental import pallas as pl
from jax.experimental.pallas import tpu as pltpu
from jax.experimental.pallas import tpu_sc as plsc

_NC = 2
_NS = 16
_NW = _NC * _NS
_CHUNK = 128
_KC = 4
_NBUF = 2


@functools.lru_cache(maxsize=None)
def _build_gather(n_chunks: int, d: int):
    b_per_w = n_chunks * _CHUNK
    n_outer = n_chunks // _KC
    mesh = plsc.VectorSubcoreMesh(core_axis_name="c", subcore_axis_name="s")

    @functools.partial(
        pl.kernel,
        mesh=mesh,
        compiler_params=pltpu.CompilerParams(use_tc_tiling_on_sc=False),
        out_type=jax.ShapeDtypeStruct((_NW * n_chunks, _CHUNK, d), jnp.float32),
        scratch_types=[
            pltpu.VMEM((n_chunks, _CHUNK), jnp.int32),
            pltpu.VMEM((_KC, _CHUNK, d), jnp.float32),
            pltpu.VMEM((_KC, _CHUNK, d), jnp.float32),
            pltpu.SemaphoreType.DMA,
            pltpu.SemaphoreType.DMA,
        ],
    )
    def k(table_hbm, idx_hbm, out_hbm, idx_v, buf0, buf1, sem0, sem1):
        wid = lax.axis_index("s") * _NC + lax.axis_index("c")
        base = wid * n_chunks
        pltpu.sync_copy(idx_hbm.at[wid], idx_v)

        bufs = (buf0, buf1)
        sems = (sem0, sem1)

        def fire(jj, b):
            for kk in range(_KC):
                pltpu.async_copy(
                    table_hbm.at[idx_v.at[jj * _KC + kk]],
                    bufs[b].at[kk],
                    sems[b],
                )

        def drain(b):
            for kk in range(_KC):
                pltpu.make_async_copy(
                    table_hbm.at[pl.ds(0, _CHUNK)], bufs[b].at[kk], sems[b]
                ).wait()

        for b in range(_NBUF):
            fire(b, b)

        def step(t, carry):
            j = t * _NBUF
            for b in range(_NBUF):
                jj = j + b
                drain(b)
                pltpu.sync_copy(
                    bufs[b], out_hbm.at[pl.ds(base + jj * _KC, _KC)]
                )
                fire(jj + _NBUF, b)
            return carry

        lax.fori_loop(0, n_outer // _NBUF - 1, step, 0)

        for b in range(_NBUF):
            jj = n_outer - _NBUF + b
            drain(b)
            pltpu.sync_copy(bufs[b], out_hbm.at[pl.ds(base + jj * _KC, _KC)])

    return k


def kernel(indices, embedding):
    d = embedding.shape[1]
    flat = indices.reshape(-1).astype(jnp.int32)
    b = flat.shape[0]
    grain = _NW * _CHUNK * _KC
    b_pad = ((b + grain - 1) // grain) * grain
    if b_pad != b:
        flat = jnp.pad(flat, (0, b_pad - b))
    n_chunks = b_pad // (_NW * _CHUNK)
    idx3 = flat.reshape(_NW, n_chunks, _CHUNK)
    out = _build_gather(n_chunks, d)(embedding, idx3)
    out = out.reshape(b_pad, d)
    if b_pad != b:
        out = out[:b]
    return out.reshape(indices.shape + (d,))

# --- scband reference (transcript-rebuilt; emitter-appended) ---
"""Pipeline reference for scband-embedding-82420422410556 (READ-ONLY COPY).

The authoritative reference and input builder live on the scoring server;
editing this copy changes nothing except your own understanding.
"""

import jax, jax.numpy as jnp
import numpy as np

NUM_EMBEDDINGS = 1000000
EMBEDDING_DIM = 64


def setup_inputs(seed: int = 0) -> dict:
    key = jax.random.key(seed)
    k_idx, k_emb = jax.random.split(key)
    indices = jax.random.randint(k_idx, (16384, 26), 0, NUM_EMBEDDINGS, dtype=jnp.int64 if jax.config.jax_enable_x64 else jnp.int32)
    # trunc_normal_(mean=0, std=1, a=-3, b=-3) in the original degenerates to a constant -3
    # interval; we emulate the parameter as a truncated-normal-like init. Since a==b==-3,
    # torch's trunc_normal_ clamps everything to -3, effectively a constant table.
    embedding = jnp.full((NUM_EMBEDDINGS, EMBEDDING_DIM), -3.0, dtype=jnp.float32)
    # Add tiny noise so gradients / lookups are distinguishable while staying faithful in spirit
    embedding = embedding + 0.0 * jax.random.normal(k_emb, (NUM_EMBEDDINGS, EMBEDDING_DIM), dtype=jnp.float32)
    return {"indices": indices, "embedding": embedding}


def reference(indices, embedding):
    # Faithful translation of: return self.embedding[indices]
    return jnp.take(embedding, indices, axis=0)

if __name__ == "__main__":
    import jax
    _d = setup_inputs()
    print(jax.jit(kernel)(*tuple(_d.values())))

</pallas_src>

<mosaic_0001>
#map = affine_map<(d0, d1) -> (0, 0)>
#map1 = affine_map<(d0, d1) -> (0, 0, 0)>
module attributes {stable_mosaic.version = 14 : i64} {
  func.func @k(%arg0: i32, %arg1: i32, %arg2: memref<1000000x64xf32, #tpu.memory_space<hbm>>, %arg3: memref<32x104x128xi32, #tpu.memory_space<hbm>>, %arg4: memref<3328x128x64xf32, #tpu.memory_space<hbm>>, %arg5: memref<104x128xi32, #tpu.memory_space<vmem>>, %arg6: memref<4x128x64xf32, #tpu.memory_space<vmem>>, %arg7: memref<4x128x64xf32, #tpu.memory_space<vmem>>, %arg8: memref<!tpu.dma_semaphore, #tpu.memory_space<semaphore_mem>>, %arg9: memref<!tpu.dma_semaphore, #tpu.memory_space<semaphore_mem>>) attributes {dimension_semantics = [#tpu.dimension_semantics<core_parallel>, #tpu.dimension_semantics<subcore_parallel>], iteration_bounds = array<i64: 2, 16>, scalar_prefetch = 0 : i64, scratch_operands = 5 : i64, tpu.core_type = #tpu.core_type<sc_vector_subcore>, window_params = [{transform_indices = #map}, {transform_indices = #map1}, {transform_indices = #map1}]} {
    %mul3A = arith.constant 2 : i32
    %mul3A_0 = arith.muli %arg1, %mul3A : i32
    %add3A = arith.addi %mul3A_0, %arg0 : i32
    %mul3A_1 = arith.constant 104 : i32
    %mul3A_2 = arith.muli %add3A, %mul3A_1 : i32
    "tpu.region"() ({
      %run_scoped3A = tpu.sem_alloc : memref<!tpu.dma_semaphore, #tpu.memory_space<semaphore_mem>>
      %dma_start3A_226 = arith.constant 0 : i32
      %dma_start3A_227 = arith.constant 0 : i32
      %dma_start3A_228 = tpu.memref_slice %arg3[%add3A, %dma_start3A_226, %dma_start3A_227] : memref<32x104x128xi32, #tpu.memory_space<hbm>> -> memref<1x104x128xi32, #tpu.memory_space<hbm>>
      %dma_start3A_229 = tpu.memref_squeeze %dma_start3A_228 : memref<1x104x128xi32, #tpu.memory_space<hbm>> -> memref<104x128xi32, #tpu.memory_space<hbm>>
      %dma_start3A_230 = arith.constant 0 : i32
      %dma_start3A_231 = arith.constant 0 : i32
      %dma_start3A_232 = tpu.memref_slice %arg3[%add3A, %dma_start3A_230, %dma_start3A_231] : memref<32x104x128xi32, #tpu.memory_space<hbm>> -> memref<1x104x128xi32, #tpu.memory_space<hbm>>
      %dma_start3A_233 = tpu.memref_squeeze %dma_start3A_232 : memref<1x104x128xi32, #tpu.memory_space<hbm>> -> memref<104x128xi32, #tpu.memory_space<hbm>>
      tpu.enqueue_dma source(%dma_start3A_233 : memref<104x128xi32, #tpu.memory_space<hbm>>) target(%arg5 : memref<104x128xi32, #tpu.memory_space<vmem>>) target_semaphore(%run_scoped3A : memref<!tpu.dma_semaphore, #tpu.memory_space<semaphore_mem>>)
      %dma_wait3A_234 = arith.constant 0 : i32
      %dma_wait3A_235 = arith.constant 0 : i32
      %dma_wait3A_236 = tpu.memref_slice %arg3[%add3A, %dma_wait3A_234, %dma_wait3A_235] : memref<32x104x128xi32, #tpu.memory_space<hbm>> -> memref<1x104x128xi32, #tpu.memory_space<hbm>>
      %dma_wait3A_237 = tpu.memref_squeeze %dma_wait3A_236 : memref<1x104x128xi32, #tpu.memory_space<hbm>> -> memref<104x128xi32, #tpu.memory_space<hbm>>
      %dma_wait3A_238 = arith.constant 0 : i32
      %dma_wait3A_239 = arith.constant 0 : i32
      %dma_wait3A_240 = tpu.memref_slice %arg3[%add3A, %dma_wait3A_238, %dma_wait3A_239] : memref<32x104x128xi32, #tpu.memory_space<hbm>> -> memref<1x104x128xi32, #tpu.memory_space<hbm>>
      %dma_wait3A_241 = tpu.memref_squeeze %dma_wait3A_240 : memref<1x104x128xi32, #tpu.memory_space<hbm>> -> memref<104x128xi32, #tpu.memory_space<hbm>>
      tpu.wait_dma2 semaphore(%run_scoped3A : memref<!tpu.dma_semaphore, #tpu.memory_space<semaphore_mem>>) src(%dma_wait3A_241 : memref<104x128xi32, #tpu.memory_space<hbm>>) dst(%arg5 : memref<104x128xi32, #tpu.memory_space<vmem>>)
      tpu.yield
    }) : () -> ()
    %dma_start3A = arith.constant 0 : i32
    %dma_start3A_3 = arith.constant 0 : i32
    %dma_start3A_4 = arith.constant 0 : i32
    %dma_start3A_5 = arith.constant 0 : i32
    %dma_start3A_6 = tpu.memref_slice %arg6[%dma_start3A_3, %dma_start3A_4, %dma_start3A_5] : memref<4x128x64xf32, #tpu.memory_space<vmem>> -> memref<1x128x64xf32, #tpu.memory_space<vmem>>
    %dma_start3A_7 = tpu.memref_squeeze %dma_start3A_6 : memref<1x128x64xf32, #tpu.memory_space<vmem>> -> memref<128x64xf32, #tpu.memory_space<vmem>>
    %dma_start3A_8 = arith.constant 0 : i32
    %dma_start3A_9 = tpu.memref_slice %arg5[%dma_start3A, %dma_start3A_8] : memref<104x128xi32, #tpu.memory_space<vmem>> -> memref<1x128xi32, #tpu.memory_space<vmem>>
    %dma_start3A_10 = tpu.memref_squeeze %dma_start3A_9 : memref<1x128xi32, #tpu.memory_space<vmem>> -> memref<128xi32, #tpu.memory_space<vmem>>
    %dma_start3A_11 = arith.constant 0 : i32
    %dma_start3A_12 = arith.constant 0 : i32
    %dma_start3A_13 = tpu.memref_slice %arg2[%dma_start3A_11, %dma_start3A_12] : memref<1000000x64xf32, #tpu.memory_space<hbm>> -> memref<1000000x64xf32, #tpu.memory_space<hbm>>
    tpu.enqueue_indirect_dma source(%dma_start3A_13 : memref<1000000x64xf32, #tpu.memory_space<hbm>>) target(%dma_start3A_7 : memref<128x64xf32, #tpu.memory_space<vmem>>) offsets(%dma_start3A_10 : memref<128xi32, #tpu.memory_space<vmem>>) semaphore(%arg8 : memref<!tpu.dma_semaphore, #tpu.memory_space<semaphore_mem>>)
    %dma_start3A_14 = arith.constant 1 : i32
    %dma_start3A_15 = arith.constant 1 : i32
    %dma_start3A_16 = arith.constant 0 : i32
    %dma_start3A_17 = arith.constant 0 : i32
    %dma_start3A_18 = tpu.memref_slice %arg6[%dma_start3A_15, %dma_start3A_16, %dma_start3A_17] : memref<4x128x64xf32, #tpu.memory_space<vmem>> -> memref<1x128x64xf32, #tpu.memory_space<vmem>>
    %dma_start3A_19 = tpu.memref_squeeze %dma_start3A_18 : memref<1x128x64xf32, #tpu.memory_space<vmem>> -> memref<128x64xf32, #tpu.memory_space<vmem>>
    %dma_start3A_20 = arith.constant 0 : i32
    %dma_start3A_21 = tpu.memref_slice %arg5[%dma_start3A_14, %dma_start3A_20] : memref<104x128xi32, #tpu.memory_space<vmem>> -> memref<1x128xi32, #tpu.memory_space<vmem>>
    %dma_start3A_22 = tpu.memref_squeeze %dma_start3A_21 : memref<1x128xi32, #tpu.memory_space<vmem>> -> memref<128xi32, #tpu.memory_space<vmem>>
    %dma_start3A_23 = arith.constant 0 : i32
    %dma_start3A_24 = arith.constant 0 : i32
    %dma_start3A_25 = tpu.memref_slice %arg2[%dma_start3A_23, %dma_start3A_24] : memref<1000000x64xf32, #tpu.memory_space<hbm>> -> memref<1000000x64xf32, #tpu.memory_space<hbm>>
    tpu.enqueue_indirect_dma source(%dma_start3A_25 : memref<1000000x64xf32, #tpu.memory_space<hbm>>) target(%dma_start3A_19 : memref<128x64xf32, #tpu.memory_space<vmem>>) offsets(%dma_start3A_22 : memref<128xi32, #tpu.memory_space<vmem>>) semaphore(%arg8 : memref<!tpu.dma_semaphore, #tpu.memory_space<semaphore_mem>>)
    %dma_start3A_26 = arith.constant 2 : i32
    %dma_start3A_27 = arith.constant 2 : i32
    %dma_start3A_28 = arith.constant 0 : i32
    %dma_start3A_29 = arith.constant 0 : i32
    %dma_start3A_30 = tpu.memref_slice %arg6[%dma_start3A_27, %dma_start3A_28, %dma_start3A_29] : memref<4x128x64xf32, #tpu.memory_space<vmem>> -> memref<1x128x64xf32, #tpu.memory_space<vmem>>
    %dma_start3A_31 = tpu.memref_squeeze %dma_start3A_30 : memref<1x128x64xf32, #tpu.memory_space<vmem>> -> memref<128x64xf32, #tpu.memory_space<vmem>>
    %dma_start3A_32 = arith.constant 0 : i32
    %dma_start3A_33 = tpu.memref_slice %arg5[%dma_start3A_26, %dma_start3A_32] : memref<104x128xi32, #tpu.memory_space<vmem>> -> memref<1x128xi32, #tpu.memory_space<vmem>>
    %dma_start3A_34 = tpu.memref_squeeze %dma_start3A_33 : memref<1x128xi32, #tpu.memory_space<vmem>> -> memref<128xi32, #tpu.memory_space<vmem>>
    %dma_start3A_35 = arith.constant 0 : i32
    %dma_start3A_36 = arith.constant 0 : i32
    %dma_start3A_37 = tpu.memref_slice %arg2[%dma_start3A_35, %dma_start3A_36] : memref<1000000x64xf32, #tpu.memory_space<hbm>> -> memref<1000000x64xf32, #tpu.memory_space<hbm>>
    tpu.enqueue_indirect_dma source(%dma_start3A_37 : memref<1000000x64xf32, #tpu.memory_space<hbm>>) target(%dma_start3A_31 : memref<128x64xf32, #tpu.memory_space<vmem>>) offsets(%dma_start3A_34 : memref<128xi32, #tpu.memory_space<vmem>>) semaphore(%arg8 : memref<!tpu.dma_semaphore, #tpu.memory_space<semaphore_mem>>)
    %dma_start3A_38 = arith.constant 3 : i32
    %dma_start3A_39 = arith.constant 3 : i32
    %dma_start3A_40 = arith.constant 0 : i32
    %dma_start3A_41 = arith.constant 0 : i32
    %dma_start3A_42 = tpu.memref_slice %arg6[%dma_start3A_39, %dma_start3A_40, %dma_start3A_41] : memref<4x128x64xf32, #tpu.memory_space<vmem>> -> memref<1x128x64xf32, #tpu.memory_space<vmem>>
    %dma_start3A_43 = tpu.memref_squeeze %dma_start3A_42 : memref<1x128x64xf32, #tpu.memory_space<vmem>> -> memref<128x64xf32, #tpu.memory_space<vmem>>
    %dma_start3A_44 = arith.constant 0 : i32
    %dma_start3A_45 = tpu.memref_slice %arg5[%dma_start3A_38, %dma_start3A_44] : memref<104x128xi32, #tpu.memory_space<vmem>> -> memref<1x128xi32, #tpu.memory_space<vmem>>
    %dma_start3A_46 = tpu.memref_squeeze %dma_start3A_45 : memref<1x128xi32, #tpu.memory_space<vmem>> -> memref<128xi32, #tpu.memory_space<vmem>>
    %dma_start3A_47 = arith.constant 0 : i32
    %dma_start3A_48 = arith.constant 0 : i32
    %dma_start3A_49 = tpu.memref_slice %arg2[%dma_start3A_47, %dma_start3A_48] : memref<1000000x64xf32, #tpu.memory_space<hbm>> -> memref<1000000x64xf32, #tpu.memory_space<hbm>>
    tpu.enqueue_indirect_dma source(%dma_start3A_49 : memref<1000000x64xf32, #tpu.memory_space<hbm>>) target(%dma_start3A_43 : memref<128x64xf32, #tpu.memory_space<vmem>>) offsets(%dma_start3A_46 : memref<128xi32, #tpu.memory_space<vmem>>) semaphore(%arg8 : memref<!tpu.dma_semaphore, #tpu.memory_space<semaphore_mem>>)
    %dma_start3A_50 = arith.constant 4 : i32
    %dma_start3A_51 = arith.constant 0 : i32
    %dma_start3A_52 = arith.constant 0 : i32
    %dma_start3A_53 = arith.constant 0 : i32
    %dma_start3A_54 = tpu.memref_slice %arg7[%dma_start3A_51, %dma_start3A_52, %dma_start3A_53] : memref<4x128x64xf32, #tpu.memory_space<vmem>> -> memref<1x128x64xf32, #tpu.memory_space<vmem>>
    %dma_start3A_55 = tpu.memref_squeeze %dma_start3A_54 : memref<1x128x64xf32, #tpu.memory_space<vmem>> -> memref<128x64xf32, #tpu.memory_space<vmem>>
    %dma_start3A_56 = arith.constant 0 : i32
    %dma_start3A_57 = tpu.memref_slice %arg5[%dma_start3A_50, %dma_start3A_56] : memref<104x128xi32, #tpu.memory_space<vmem>> -> memref<1x128xi32, #tpu.memory_space<vmem>>
    %dma_start3A_58 = tpu.memref_squeeze %dma_start3A_57 : memref<1x128xi32, #tpu.memory_space<vmem>> -> memref<128xi32, #tpu.memory_space<vmem>>
    %dma_start3A_59 = arith.constant 0 : i32
    %dma_start3A_60 = arith.constant 0 : i32
    %dma_start3A_61 = tpu.memref_slice %arg2[%dma_start3A_59, %dma_start3A_60] : memref<1000000x64xf32, #tpu.memory_space<hbm>> -> memref<1000000x64xf32, #tpu.memory_space<hbm>>
    tpu.enqueue_indirect_dma source(%dma_start3A_61 : memref<1000000x64xf32, #tpu.memory_space<hbm>>) target(%dma_start3A_55 : memref<128x64xf32, #tpu.memory_space<vmem>>) offsets(%dma_start3A_58 : memref<128xi32, #tpu.memory_space<vmem>>) semaphore(%arg9 : memref<!tpu.dma_semaphore, #tpu.memory_space<semaphore_mem>>)
    %dma_start3A_62 = arith.constant 5 : i32
    %dma_start3A_63 = arith.constant 1 : i32
    %dma_start3A_64 = arith.constant 0 : i32
    %dma_start3A_65 = arith.constant 0 : i32
    %dma_start3A_66 = tpu.memref_slice %arg7[%dma_start3A_63, %dma_start3A_64, %dma_start3A_65] : memref<4x128x64xf32, #tpu.memory_space<vmem>> -> memref<1x128x64xf32, #tpu.memory_space<vmem>>
    %dma_start3A_67 = tpu.memref_squeeze %dma_start3A_66 : memref<1x128x64xf32, #tpu.memory_space<vmem>> -> memref<128x64xf32, #tpu.memory_space<vmem>>
    %dma_start3A_68 = arith.constant 0 : i32
    %dma_start3A_69 = tpu.memref_slice %arg5[%dma_start3A_62, %dma_start3A_68] : memref<104x128xi32, #tpu.memory_space<vmem>> -> memref<1x128xi32, #tpu.memory_space<vmem>>
    %dma_start3A_70 = tpu.memref_squeeze %dma_start3A_69 : memref<1x128xi32, #tpu.memory_space<vmem>> -> memref<128xi32, #tpu.memory_space<vmem>>
    %dma_start3A_71 = arith.constant 0 : i32
    %dma_start3A_72 = arith.constant 0 : i32
    %dma_start3A_73 = tpu.memref_slice %arg2[%dma_start3A_71, %dma_start3A_72] : memref<1000000x64xf32, #tpu.memory_space<hbm>> -> memref<1000000x64xf32, #tpu.memory_space<hbm>>
    tpu.enqueue_indirect_dma source(%dma_start3A_73 : memref<1000000x64xf32, #tpu.memory_space<hbm>>) target(%dma_start3A_67 : memref<128x64xf32, #tpu.memory_space<vmem>>) offsets(%dma_start3A_70 : memref<128xi32, #tpu.memory_space<vmem>>) semaphore(%arg9 : memref<!tpu.dma_semaphore, #tpu.memory_space<semaphore_mem>>)
    %dma_start3A_74 = arith.constant 6 : i32
    %dma_start3A_75 = arith.constant 2 : i32
    %dma_start3A_76 = arith.constant 0 : i32
    %dma_start3A_77 = arith.constant 0 : i32
    %dma_start3A_78 = tpu.memref_slice %arg7[%dma_start3A_75, %dma_start3A_76, %dma_start3A_77] : memref<4x128x64xf32, #tpu.memory_space<vmem>> -> memref<1x128x64xf32, #tpu.memory_space<vmem>>
    %dma_start3A_79 = tpu.memref_squeeze %dma_start3A_78 : memref<1x128x64xf32, #tpu.memory_space<vmem>> -> memref<128x64xf32, #tpu.memory_space<vmem>>
    %dma_start3A_80 = arith.constant 0 : i32
    %dma_start3A_81 = tpu.memref_slice %arg5[%dma_start3A_74, %dma_start3A_80] : memref<104x128xi32, #tpu.memory_space<vmem>> -> memref<1x128xi32, #tpu.memory_space<vmem>>
    %dma_start3A_82 = tpu.memref_squeeze %dma_start3A_81 : memref<1x128xi32, #tpu.memory_space<vmem>> -> memref<128xi32, #tpu.memory_space<vmem>>
    %dma_start3A_83 = arith.constant 0 : i32
    %dma_start3A_84 = arith.constant 0 : i32
    %dma_start3A_85 = tpu.memref_slice %arg2[%dma_start3A_83, %dma_start3A_84] : memref<1000000x64xf32, #tpu.memory_space<hbm>> -> memref<1000000x64xf32, #tpu.memory_space<hbm>>
    tpu.enqueue_indirect_dma source(%dma_start3A_85 : memref<1000000x64xf32, #tpu.memory_space<hbm>>) target(%dma_start3A_79 : memref<128x64xf32, #tpu.memory_space<vmem>>) offsets(%dma_start3A_82 : memref<128xi32, #tpu.memory_space<vmem>>) semaphore(%arg9 : memref<!tpu.dma_semaphore, #tpu.memory_space<semaphore_mem>>)
    %dma_start3A_86 = arith.constant 7 : i32
    %dma_start3A_87 = arith.constant 3 : i32
    %dma_start3A_88 = arith.constant 0 : i32
    %dma_start3A_89 = arith.constant 0 : i32
    %dma_start3A_90 = tpu.memref_slice %arg7[%dma_start3A_87, %dma_start3A_88, %dma_start3A_89] : memref<4x128x64xf32, #tpu.memory_space<vmem>> -> memref<1x128x64xf32, #tpu.memory_space<vmem>>
    %dma_start3A_91 = tpu.memref_squeeze %dma_start3A_90 : memref<1x128x64xf32, #tpu.memory_space<vmem>> -> memref<128x64xf32, #tpu.memory_space<vmem>>
    %dma_start3A_92 = arith.constant 0 : i32
    %dma_start3A_93 = tpu.memref_slice %arg5[%dma_start3A_86, %dma_start3A_92] : memref<104x128xi32, #tpu.memory_space<vmem>> -> memref<1x128xi32, #tpu.memory_space<vmem>>
    %dma_start3A_94 = tpu.memref_squeeze %dma_start3A_93 : memref<1x128xi32, #tpu.memory_space<vmem>> -> memref<128xi32, #tpu.memory_space<vmem>>
    %dma_start3A_95 = arith.constant 0 : i32
    %dma_start3A_96 = arith.constant 0 : i32
    %dma_start3A_97 = tpu.memref_slice %arg2[%dma_start3A_95, %dma_start3A_96] : memref<1000000x64xf32, #tpu.memory_space<hbm>> -> memref<1000000x64xf32, #tpu.memory_space<hbm>>
    tpu.enqueue_indirect_dma source(%dma_start3A_97 : memref<1000000x64xf32, #tpu.memory_space<hbm>>) target(%dma_start3A_91 : memref<128x64xf32, #tpu.memory_space<vmem>>) offsets(%dma_start3A_94 : memref<128xi32, #tpu.memory_space<vmem>>) semaphore(%arg9 : memref<!tpu.dma_semaphore, #tpu.memory_space<semaphore_mem>>)
    %scan3A = arith.constant 0 : i32
    %scan3A_98 = arith.constant 0 : i32
    %scan3A_99 = arith.constant 12 : i32
    %scan3A_100 = arith.addi %scan3A_98, %scan3A_99 : i32
    %scan3A_101 = arith.constant 1 : i32
    scf.for %scan3A_226 = %scan3A_98 to %scan3A_100 step %scan3A_101  : i32 {
      %mul3A_227 = arith.constant 2 : i32
      %mul3A_228 = arith.muli %scan3A_226, %mul3A_227 : i32
      %add3A_229 = arith.constant 0 : i32
      %add3A_230 = arith.addi %mul3A_228, %add3A_229 : i32
      %dma_wait3A_231 = arith.constant 0 : i32
      %dma_wait3A_232 = arith.constant 0 : i32
      %dma_wait3A_233 = arith.constant 0 : i32
      %dma_wait3A_234 = tpu.memref_slice %arg6[%dma_wait3A_231, %dma_wait3A_232, %dma_wait3A_233] : memref<4x128x64xf32, #tpu.memory_space<vmem>> -> memref<1x128x64xf32, #tpu.memory_space<vmem>>
      %dma_wait3A_235 = tpu.memref_squeeze %dma_wait3A_234 : memref<1x128x64xf32, #tpu.memory_space<vmem>> -> memref<128x64xf32, #tpu.memory_space<vmem>>
      %dma_wait3A_236 = arith.constant 0 : i32
      %dma_wait3A_237 = arith.constant 0 : i32
      %dma_wait3A_238 = tpu.memref_slice %arg2[%dma_wait3A_236, %dma_wait3A_237] : memref<1000000x64xf32, #tpu.memory_space<hbm>> -> memref<128x64xf32, #tpu.memory_space<hbm>>
      %dma_wait3A_239 = arith.constant 0 : i32
      %dma_wait3A_240 = arith.constant 0 : i32
      %dma_wait3A_241 = tpu.memref_slice %arg6[%dma_wait3A_231, %dma_wait3A_239, %dma_wait3A_240] : memref<4x128x64xf32, #tpu.memory_space<vmem>> -> memref<1x128x64xf32, #tpu.memory_space<vmem>>
      %dma_wait3A_242 = tpu.memref_squeeze %dma_wait3A_241 : memref<1x128x64xf32, #tpu.memory_space<vmem>> -> memref<128x64xf32, #tpu.memory_space<vmem>>
      %dma_wait3A_243 = arith.constant 0 : i32
      %dma_wait3A_244 = arith.constant 0 : i32
      %dma_wait3A_245 = tpu.memref_slice %arg2[%dma_wait3A_243, %dma_wait3A_244] : memref<1000000x64xf32, #tpu.memory_space<hbm>> -> memref<128x64xf32, #tpu.memory_space<hbm>>
      tpu.wait_dma2 semaphore(%arg8 : memref<!tpu.dma_semaphore, #tpu.memory_space<semaphore_mem>>) src(%dma_wait3A_245 : memref<128x64xf32, #tpu.memory_space<hbm>>) dst(%dma_wait3A_242 : memref<128x64xf32, #tpu.memory_space<vmem>>)
      %dma_wait3A_246 = arith.constant 1 : i32
      %dma_wait3A_247 = arith.constant 0 : i32
      %dma_wait3A_248 = arith.constant 0 : i32
      %dma_wait3A_249 = tpu.memref_slice %arg6[%dma_wait3A_246, %dma_wait3A_247, %dma_wait3A_248] : memref<4x128x64xf32, #tpu.memory_space<vmem>> -> memref<1x128x64xf32, #tpu.memory_space<vmem>>
      %dma_wait3A_250 = tpu.memref_squeeze %dma_wait3A_249 : memref<1x128x64xf32, #tpu.memory_space<vmem>> -> memref<128x64xf32, #tpu.memory_space<vmem>>
      %dma_wait3A_251 = arith.constant 0 : i32
      %dma_wait3A_252 = arith.constant 0 : i32
      %dma_wait3A_253 = tpu.memref_slice %arg2[%dma_wait3A_251, %dma_wait3A_252] : memref<1000000x64xf32, #tpu.memory_space<hbm>> -> memref<128x64xf32, #tpu.memory_space<hbm>>
      %dma_wait3A_254 = arith.constant 0 : i32
      %dma_wait3A_255 = arith.constant 0 : i32
      %dma_wait3A_256 = tpu.memref_slice %arg6[%dma_wait3A_246, %dma_wait3A_254, %dma_wait3A_255] : memref<4x128x64xf32, #tpu.memory_space<vmem>> -> memref<1x128x64xf32, #tpu.memory_space<vmem>>
      %dma_wait3A_257 = tpu.memref_squeeze %dma_wait3A_256 : memref<1x128x64xf32, #tpu.memory_space<vmem>> -> memref<128x64xf32, #tpu.memory_space<vmem>>
      %dma_wait3A_258 = arith.constant 0 : i32
      %dma_wait3A_259 = arith.constant 0 : i32
      %dma_wait3A_260 = tpu.memref_slice %arg2[%dma_wait3A_258, %dma_wait3A_259] : memref<1000000x64xf32, #tpu.memory_space<hbm>> -> memref<128x64xf32, #tpu.memory_space<hbm>>
      tpu.wait_dma2 semaphore(%arg8 : memref<!tpu.dma_semaphore, #tpu.memory_space<semaphore_mem>>) src(%dma_wait3A_260 : memref<128x64xf32, #tpu.memory_space<hbm>>) dst(%dma_wait3A_257 : memref<128x64xf32, #tpu.memory_space<vmem>>)
      %dma_wait3A_261 = arith.constant 2 : i32
      %dma_wait3A_262 = arith.constant 0 : i32
      %dma_wait3A_263 = arith.constant 0 : i32
      %dma_wait3A_264 = tpu.memref_slice %arg6[%dma_wait3A_261, %dma_wait3A_262, %dma_wait3A_263] : memref<4x128x64xf32, #tpu.memory_space<vmem>> -> memref<1x128x64xf32, #tpu.memory_space<vmem>>
      %dma_wait3A_265 = tpu.memref_squeeze %dma_wait3A_264 : memref<1x128x64xf32, #tpu.memory_space<vmem>> -> memref<128x64xf32, #tpu.memory_space<vmem>>
      %dma_wait3A_266 = arith.constant 0 : i32
      %dma_wait3A_267 = arith.constant 0 : i32
      %dma_wait3A_268 = tpu.memref_slice %arg2[%dma_wait3A_266, %dma_wait3A_267] : memref<1000000x64xf32, #tpu.memory_space<hbm>> -> memref<128x64xf32, #tpu.memory_space<hbm>>
      %dma_wait3A_269 = arith.constant 0 : i32
      %dma_wait3A_270 = arith.constant 0 : i32
      %dma_wait3A_271 = tpu.memref_slice %arg6[%dma_wait3A_261, %dma_wait3A_269, %dma_wait3A_270] : memref<4x128x64xf32, #tpu.memory_space<vmem>> -> memref<1x128x64xf32, #tpu.memory_space<vmem>>
      %dma_wait3A_272 = tpu.memref_squeeze %dma_wait3A_271 : memref<1x128x64xf32, #tpu.memory_space<vmem>> -> memref<128x64xf32, #tpu.memory_space<vmem>>
      %dma_wait3A_273 = arith.constant 0 : i32
      %dma_wait3A_274 = arith.constant 0 : i32
      %dma_wait3A_275 = tpu.memref_slice %arg2[%dma_wait3A_273, %dma_wait3A_274] : memref<1000000x64xf32, #tpu.memory_space<hbm>> -> memref<128x64xf32, #tpu.memory_space<hbm>>
      tpu.wait_dma2 semaphore(%arg8 : memref<!tpu.dma_semaphore, #tpu.memory_space<semaphore_mem>>) src(%dma_wait3A_275 : memref<128x64xf32, #tpu.memory_space<hbm>>) dst(%dma_wait3A_272 : memref<128x64xf32, #tpu.memory_space<vmem>>)
      %dma_wait3A_276 = arith.constant 3 : i32
      %dma_wait3A_277 = arith.constant 0 : i32
      %dma_wait3A_278 = arith.constant 0 : i32
      %dma_wait3A_279 = tpu.memref_slice %arg6[%dma_wait3A_276, %dma_wait3A_277, %dma_wait3A_278] : memref<4x128x64xf32, #tpu.memory_space<vmem>> -> memref<1x128x64xf32, #tpu.memory_space<vmem>>
      %dma_wait3A_280 = tpu.memref_squeeze %dma_wait3A_279 : memref<1x128x64xf32, #tpu.memory_space<vmem>> -> memref<128x64xf32, #tpu.memory_space<vmem>>
      %dma_wait3A_281 = arith.constant 0 : i32
      %dma_wait3A_282 = arith.constant 0 : i32
      %dma_wait3A_283 = tpu.memref_slice %arg2[%dma_wait3A_281, %dma_wait3A_282] : memref<1000000x64xf32, #tpu.memory_space<hbm>> -> memref<128x64xf32, #tpu.memory_space<hbm>>
      %dma_wait3A_284 = arith.constant 0 : i32
      %dma_wait3A_285 = arith.constant 0 : i32
      %dma_wait3A_286 = tpu.memref_slice %arg6[%dma_wait3A_276, %dma_wait3A_284, %dma_wait3A_285] : memref<4x128x64xf32, #tpu.memory_space<vmem>> -> memref<1x128x64xf32, #tpu.memory_space<vmem>>
      %dma_wait3A_287 = tpu.memref_squeeze %dma_wait3A_286 : memref<1x128x64xf32, #tpu.memory_space<vmem>> -> memref<128x64xf32, #tpu.memory_space<vmem>>
      %dma_wait3A_288 = arith.constant 0 : i32
      %dma_wait3A_289 = arith.constant 0 : i32
      %dma_wait3A_290 = tpu.memref_slice %arg2[%dma_wait3A_288, %dma_wait3A_289] : memref<1000000x64xf32, #tpu.memory_space<hbm>> -> memref<128x64xf32, #tpu.memory_space<hbm>>
      tpu.wait_dma2 semaphore(%arg8 : memref<!tpu.dma_semaphore, #tpu.memory_space<semaphore_mem>>) src(%dma_wait3A_290 : memref<128x64xf32, #tpu.memory_space<hbm>>) dst(%dma_wait3A_287 : memref<128x64xf32, #tpu.memory_space<vmem>>)
      %mul3A_291 = arith.constant 4 : i32
      %mul3A_292 = arith.muli %add3A_230, %mul3A_291 : i32
      %add3A_293 = arith.addi %mul3A_2, %mul3A_292 : i32
      "tpu.region"() ({
        %run_scoped3A = tpu.sem_alloc : memref<!tpu.dma_semaphore, #tpu.memory_space<semaphore_mem>>
        %dma_start3A_483 = arith.constant 0 : i32
        %dma_start3A_484 = arith.constant 0 : i32
        %dma_start3A_485 = tpu.memref_slice %arg4[%add3A_293, %dma_start3A_483, %dma_start3A_484] : memref<3328x128x64xf32, #tpu.memory_space<hbm>> -> memref<4x128x64xf32, #tpu.memory_space<hbm>>
        %dma_start3A_486 = arith.constant 0 : i32
        %dma_start3A_487 = arith.constant 0 : i32
        %dma_start3A_488 = tpu.memref_slice %arg4[%add3A_293, %dma_start3A_486, %dma_start3A_487] : memref<3328x128x64xf32, #tpu.memory_space<hbm>> -> memref<4x128x64xf32, #tpu.memory_space<hbm>>
        tpu.enqueue_dma source(%arg6 : memref<4x128x64xf32, #tpu.memory_space<vmem>>) target(%dma_start3A_488 : memref<4x128x64xf32, #tpu.memory_space<hbm>>) target_semaphore(%run_scoped3A : memref<!tpu.dma_semaphore, #tpu.memory_space<semaphore_mem>>)
        %dma_wait3A_489 = arith.constant 0 : i32
        %dma_wait3A_490 = arith.constant 0 : i32
        %dma_wait3A_491 = tpu.memref_slice %arg4[%add3A_293, %dma_wait3A_489, %dma_wait3A_490] : memref<3328x128x64xf32, #tpu.memory_space<hbm>> -> memref<4x128x64xf32, #tpu.memory_space<hbm>>
        %dma_wait3A_492 = arith.constant 0 : i32
        %dma_wait3A_493 = arith.constant 0 : i32
        %dma_wait3A_494 = tpu.memref_slice %arg4[%add3A_293, %dma_wait3A_492, %dma_wait3A_493] : memref<3328x128x64xf32, #tpu.memory_space<hbm>> -> memref<4x128x64xf32, #tpu.memory_space<hbm>>
        tpu.wait_dma2 semaphore(%run_scoped3A : memref<!tpu.dma_semaphore, #tpu.memory_space<semaphore_mem>>) src(%arg6 : memref<4x128x64xf32, #tpu.memory_space<vmem>>) dst(%dma_wait3A_494 : memref<4x128x64xf32, #tpu.memory_space<hbm>>)
        tpu.yield
      }) : () -> ()
      %add3A_294 = arith.constant 2 : i32
      %add3A_295 = arith.addi %add3A_230, %add3A_294 : i32
      %mul3A_296 = arith.constant 4 : i32
      %mul3A_297 = arith.muli %add3A_295, %mul3A_296 : i32
      %add3A_298 = arith.constant 0 : i32
      %add3A_299 = arith.addi %mul3A_297, %add3A_298 : i32
      %dma_start3A_300 = arith.constant 0 : i32
      %dma_start3A_301 = arith.constant 0 : i32
      %dma_start3A_302 = arith.constant 0 : i32
      %dma_start3A_303 = tpu.memref_slice %arg6[%dma_start3A_300, %dma_start3A_301, %dma_start3A_302] : memref<4x128x64xf32, #tpu.memory_space<vmem>> -> memref<1x128x64xf32, #tpu.memory_space<vmem>>
      %dma_start3A_304 = tpu.memref_squeeze %dma_start3A_303 : memref<1x128x64xf32, #tpu.memory_space<vmem>> -> memref<128x64xf32, #tpu.memory_space<vmem>>
      %dma_start3A_305 = arith.constant 0 : i32
      %dma_start3A_306 = tpu.memref_slice %arg5[%add3A_299, %dma_start3A_305] : memref<104x128xi32, #tpu.memory_space<vmem>> -> memref<1x128xi32, #tpu.memory_space<vmem>>
      %dma_start3A_307 = tpu.memref_squeeze %dma_start3A_306 : memref<1x128xi32, #tpu.memory_space<vmem>> -> memref<128xi32, #tpu.memory_space<vmem>>
      %dma_start3A_308 = arith.constant 0 : i32
      %dma_start3A_309 = arith.constant 0 : i32
      %dma_start3A_310 = tpu.memref_slice %arg2[%dma_start3A_308, %dma_start3A_309] : memref<1000000x64xf32, #tpu.memory_space<hbm>> -> memref<1000000x64xf32, #tpu.memory_space<hbm>>
      tpu.enqueue_indirect_dma source(%dma_start3A_310 : memref<1000000x64xf32, #tpu.memory_space<hbm>>) target(%dma_start3A_304 : memref<128x64xf32, #tpu.memory_space<vmem>>) offsets(%dma_start3A_307 : memref<128xi32, #tpu.memory_space<vmem>>) semaphore(%arg8 : memref<!tpu.dma_semaphore, #tpu.memory_space<semaphore_mem>>)
      %mul3A_311 = arith.constant 4 : i32
      %mul3A_312 = arith.muli %add3A_295, %mul3A_311 : i32
      %add3A_313 = arith.constant 1 : i32
      %add3A_314 = arith.addi %mul3A_312, %add3A_313 : i32
      %dma_start3A_315 = arith.constant 1 : i32
      %dma_start3A_316 = arith.constant 0 : i32
      %dma_start3A_317 = arith.constant 0 : i32
      %dma_start3A_318 = tpu.memref_slice %arg6[%dma_start3A_315, %dma_start3A_316, %dma_start3A_317] : memref<4x128x64xf32, #tpu.memory_space<vmem>> -> memref<1x128x64xf32, #tpu.memory_space<vmem>>
      %dma_start3A_319 = tpu.memref_squeeze %dma_start3A_318 : memref<1x128x64xf32, #tpu.memory_space<vmem>> -> memref<128x64xf32, #tpu.memory_space<vmem>>
      %dma_start3A_320 = arith.constant 0 : i32
      %dma_start3A_321 = tpu.memref_slice %arg5[%add3A_314, %dma_start3A_320] : memref<104x128xi32, #tpu.memory_space<vmem>> -> memref<1x128xi32, #tpu.memory_space<vmem>>
      %dma_start3A_322 = tpu.memref_squeeze %dma_start3A_321 : memref<1x128xi32, #tpu.memory_space<vmem>> -> memref<128xi32, #tpu.memory_space<vmem>>
      %dma_start3A_323 = arith.constant 0 : i32
      %dma_start3A_324 = arith.constant 0 : i32
      %dma_start3A_325 = tpu.memref_slice %arg2[%dma_start3A_323, %dma_start3A_324] : memref<1000000x64xf32, #tpu.memory_space<hbm>> -> memref<1000000x64xf32, #tpu.memory_space<hbm>>
      tpu.enqueue_indirect_dma source(%dma_start3A_325 : memref<1000000x64xf32, #tpu.memory_space<hbm>>) target(%dma_start3A_319 : memref<128x64xf32, #tpu.memory_space<vmem>>) offsets(%dma_start3A_322 : memref<128xi32, #tpu.memory_space<vmem>>) semaphore(%arg8 : memref<!tpu.dma_semaphore, #tpu.memory_space<semaphore_mem>>)
      %mul3A_326 = arith.constant 4 : i32
      %mul3A_327 = arith.muli %add3A_295, %mul3A_326 : i32
      %add3A_328 = arith.constant 2 : i32
      %add3A_329 = arith.addi %mul3A_327, %add3A_328 : i32
      %dma_start3A_330 = arith.constant 2 : i32
      %dma_start3A_331 = arith.constant 0 : i32
      %dma_start3A_332 = arith.constant 0 : i32
      %dma_start3A_333 = tpu.memref_slice %arg6[%dma_start3A_330, %dma_start3A_331, %dma_start3A_332] : memref<4x128x64xf32, #tpu.memory_space<vmem>> -> memref<1x128x64xf32, #tpu.memory_space<vmem>>
      %dma_start3A_334 = tpu.memref_squeeze %dma_start3A_333 : memref<1x128x64xf32, #tpu.memory_space<vmem>> -> memref<128x64xf32, #tpu.memory_space<vmem>>
      %dma_start3A_335 = arith.constant 0 : i32
      %dma_start3A_336 = tpu.memref_slice %arg5[%add3A_329, %dma_start3A_335] : memref<104x128xi32, #tpu.memory_space<vmem>> -> memref<1x128xi32, #tpu.memory_space<vmem>>
      %dma_start3A_337 = tpu.memref_squeeze %dma_start3A_336 : memref<1x128xi32, #tpu.memory_space<vmem>> -> memref<128xi32, #tpu.memory_space<vmem>>
      %dma_start3A_338 = arith.constant 0 : i32
      %dma_start3A_339 = arith.constant 0 : i32
      %dma_start3A_340 = tpu.memref_slice %arg2[%dma_start3A_338, %dma_start3A_339] : memref<1000000x64xf32, #tpu.memory_space<hbm>> -> memref<1000000x64xf32, #tpu.memory_space<hbm>>
      tpu.enqueue_indirect_dma source(%dma_start3A_340 : memref<1000000x64xf32, #tpu.memory_space<hbm>>) target(%dma_start3A_334 : memref<128x64xf32, #tpu.memory_space<vmem>>) offsets(%dma_start3A_337 : memref<128xi32, #tpu.memory_space<vmem>>) semaphore(%arg8 : memref<!tpu.dma_semaphore, #tpu.memory_space<semaphore_mem>>)
      %mul3A_341 = arith.constant 4 : i32
      %mul3A_342 = arith.muli %add3A_295, %mul3A_341 : i32
      %add3A_343 = arith.constant 3 : i32
      %add3A_344 = arith.addi %mul3A_342, %add3A_343 : i32
      %dma_start3A_345 = arith.constant 3 : i32
      %dma_start3A_346 = arith.constant 0 : i32
      %dma_start3A_347 = arith.constant 0 : i32
      %dma_start3A_348 = tpu.memref_slice %arg6[%dma_start3A_345, %dma_start3A_346, %dma_start3A_347] : memref<4x128x64xf32, #tpu.memory_space<vmem>> -> memref<1x128x64xf32, #tpu.memory_space<vmem>>
      %dma_start3A_349 = tpu.memref_squeeze %dma_start3A_348 : memref<1x128x64xf32, #tpu.memory_space<vmem>> -> memref<128x64xf32, #tpu.memory_space<vmem>>
      %dma_start3A_350 = arith.constant 0 : i32
      %dma_start3A_351 = tpu.memref_slice %arg5[%add3A_344, %dma_start3A_350] : memref<104x128xi32, #tpu.memory_space<vmem>> -> memref<1x128xi32, #tpu.memory_space<vmem>>
      %dma_start3A_352 = tpu.memref_squeeze %dma_start3A_351 : memref<1x128xi32, #tpu.memory_space<vmem>> -> memref<128xi32, #tpu.memory_space<vmem>>
      %dma_start3A_353 = arith.constant 0 : i32
      %dma_start3A_354 = arith.constant 0 : i32
      %dma_start3A_355 = tpu.memref_slice %arg2[%dma_start3A_353, %dma_start3A_354] : memref<1000000x64xf32, #tpu.memory_space<hbm>> -> memref<1000000x64xf32, #tpu.memory_space<hbm>>
      tpu.enqueue_indirect_dma source(%dma_start3A_355 : memref<1000000x64xf32, #tpu.memory_space<hbm>>) target(%dma_start3A_349 : memref<128x64xf32, #tpu.memory_space<vmem>>) offsets(%dma_start3A_352 : memref<128xi32, #tpu.memory_space<vmem>>) semaphore(%arg8 : memref<!tpu.dma_semaphore, #tpu.memory_space<semaphore_mem>>)
      %add3A_356 = arith.constant 1 : i32
      %add3A_357 = arith.addi %mul3A_228, %add3A_356 : i32
      %dma_wait3A_358 = arith.constant 0 : i32
      %dma_wait3A_359 = arith.constant 0 : i32
      %dma_wait3A_360 = arith.constant 0 : i32
      %dma_wait3A_361 = tpu.memref_slice %arg7[%dma_wait3A_358, %dma_wait3A_359, %dma_wait3A_360] : memref<4x128x64xf32, #tpu.memory_space<vmem>> -> memref<1x128x64xf32, #tpu.memory_space<vmem>>
      %dma_wait3A_362 = tpu.memref_squeeze %dma_wait3A_361 : memref<1x128x64xf32, #tpu.memory_space<vmem>> -> memref<128x64xf32, #tpu.memory_space<vmem>>
      %dma_wait3A_363 = arith.constant 0 : i32
      %dma_wait3A_364 = arith.constant 0 : i32
      %dma_wait3A_365 = tpu.memref_slice %arg2[%dma_wait3A_363, %dma_wait3A_364] : memref<1000000x64xf32, #tpu.memory_space<hbm>> -> memref<128x64xf32, #tpu.memory_space<hbm>>
      %dma_wait3A_366 = arith.constant 0 : i32
      %dma_wait3A_367 = arith.constant 0 : i32
      %dma_wait3A_368 = tpu.memref_slice %arg7[%dma_wait3A_358, %dma_wait3A_366, %dma_wait3A_367] : memref<4x128x64xf32, #tpu.memory_space<vmem>> -> memref<1x128x64xf32, #tpu.memory_space<vmem>>
      %dma_wait3A_369 = tpu.memref_squeeze %dma_wait3A_368 : memref<1x128x64xf32, #tpu.memory_space<vmem>> -> memref<128x64xf32, #tpu.memory_space<vmem>>
      %dma_wait3A_370 = arith.constant 0 : i32
      %dma_wait3A_371 = arith.constant 0 : i32
      %dma_wait3A_372 = tpu.memref_slice %arg2[%dma_wait3A_370, %dma_wait3A_371] : memref<1000000x64xf32, #tpu.memory_space<hbm>> -> memref<128x64xf32, #tpu.memory_space<hbm>>
      tpu.wait_dma2 semaphore(%arg9 : memref<!tpu.dma_semaphore, #tpu.memory_space<semaphore_mem>>) src(%dma_wait3A_372 : memref<128x64xf32, #tpu.memory_space<hbm>>) dst(%dma_wait3A_369 : memref<128x64xf32, #tpu.memory_space<vmem>>)
      %dma_wait3A_373 = arith.constant 1 : i32
      %dma_wait3A_374 = arith.constant 0 : i32
      %dma_wait3A_375 = arith.constant 0 : i32
      %dma_wait3A_376 = tpu.memref_slice %arg7[%dma_wait3A_373, %dma_wait3A_374, %dma_wait3A_375] : memref<4x128x64xf32, #tpu.memory_space<vmem>> -> memref<1x128x64xf32, #tpu.memory_space<vmem>>
      %dma_wait3A_377 = tpu.memref_squeeze %dma_wait3A_376 : memref<1x128x64xf32, #tpu.memory_space<vmem>> -> memref<128x64xf32, #tpu.memory_space<vmem>>
      %dma_wait3A_378 = arith.constant 0 : i32
      %dma_wait3A_379 = arith.constant 0 : i32
      %dma_wait3A_380 = tpu.memref_slice %arg2[%dma_wait3A_378, %dma_wait3A_379] : memref<1000000x64xf32, #tpu.memory_space<hbm>> -> memref<128x64xf32, #tpu.memory_space<hbm>>
      %dma_wait3A_381 = arith.constant 0 : i32
      %dma_wait3A_382 = arith.constant 0 : i32
      %dma_wait3A_383 = tpu.memref_slice %arg7[%dma_wait3A_373, %dma_wait3A_381, %dma_wait3A_382] : memref<4x128x64xf32, #tpu.memory_space<vmem>> -> memref<1x128x64xf32, #tpu.memory_space<vmem>>
      %dma_wait3A_384 = tpu.memref_squeeze %dma_wait3A_383 : memref<1x128x64xf32, #tpu.memory_space<vmem>> -> memref<128x64xf32, #tpu.memory_space<vmem>>
      %dma_wait3A_385 = arith.constant 0 : i32
      %dma_wait3A_386 = arith.constant 0 : i32
      %dma_wait3A_387 = tpu.memref_slice %arg2[%dma_wait3A_385, %dma_wait3A_386] : memref<1000000x64xf32, #tpu.memory_space<hbm>> -> memref<128x64xf32, #tpu.memory_space<hbm>>
      tpu.wait_dma2 semaphore(%arg9 : memref<!tpu.dma_semaphore, #tpu.memory_space<semaphore_mem>>) src(%dma_wait3A_387 : memref<128x64xf32, #tpu.memory_space<hbm>>) dst(%dma_wait3A_384 : memref<128x64xf32, #tpu.memory_space<vmem>>)
      %dma_wait3A_388 = arith.constant 2 : i32
      %dma_wait3A_389 = arith.constant 0 : i32
      %dma_wait3A_390 = arith.constant 0 : i32
      %dma_wait3A_391 = tpu.memref_slice %arg7[%dma_wait3A_388, %dma_wait3A_389, %dma_wait3A_390] : memref<4x128x64xf32, #tpu.memory_space<vmem>> -> memref<1x128x64xf32, #tpu.memory_space<vmem>>
      %dma_wait3A_392 = tpu.memref_squeeze %dma_wait3A_391 : memref<1x128x64xf32, #tpu.memory_space<vmem>> -> memref<128x64xf32, #tpu.memory_space<vmem>>
      %dma_wait3A_393 = arith.constant 0 : i32
      %dma_wait3A_394 = arith.constant 0 : i32
      %dma_wait3A_395 = tpu.memref_slice %arg2[%dma_wait3A_393, %dma_wait3A_394] : memref<1000000x64xf32, #tpu.memory_space<hbm>> -> memref<128x64xf32, #tpu.memory_space<hbm>>
      %dma_wait3A_396 = arith.constant 0 : i32
      %dma_wait3A_397 = arith.constant 0 : i32
      %dma_wait3A_398 = tpu.memref_slice %arg7[%dma_wait3A_388, %dma_wait3A_396, %dma_wait3A_397] : memref<4x128x64xf32, #tpu.memory_space<vmem>> -> memref<1x128x64xf32, #tpu.memory_space<vmem>>
      %dma_wait3A_399 = tpu.memref_squeeze %dma_wait3A_398 : memref<1x128x64xf32, #tpu.memory_space<vmem>> -> memref<128x64xf32, #tpu.memory_space<vmem>>
      %dma_wait3A_400 = arith.constant 0 : i32
      %dma_wait3A_401 = arith.constant 0 : i32
      %dma_wait3A_402 = tpu.memref_slice %arg2[%dma_wait3A_400, %dma_wait3A_401] : memref<1000000x64xf32, #tpu.memory_space<hbm>> -> memref<128x64xf32, #tpu.memory_space<hbm>>
      tpu.wait_dma2 semaphore(%arg9 : memref<!tpu.dma_semaphore, #tpu.memory_space<semaphore_mem>>) src(%dma_wait3A_402 : memref<128x64xf32, #tpu.memory_space<hbm>>) dst(%dma_wait3A_399 : memref<128x64xf32, #tpu.memory_space<vmem>>)
      %dma_wait3A_403 = arith.constant 3 : i32
      %dma_wait3A_404 = arith.constant 0 : i32
      %dma_wait3A_405 = arith.constant 0 : i32
      %dma_wait3A_406 = tpu.memref_slice %arg7[%dma_wait3A_403, %dma_wait3A_404, %dma_wait3A_405] : memref<4x128x64xf32, #tpu.memory_space<vmem>> -> memref<1x128x64xf32, #tpu.memory_space<vmem>>
      %dma_wait3A_407 = tpu.memref_squeeze %dma_wait3A_406 : memref<1x128x64xf32, #tpu.memory_space<vmem>> -> memref<128x64xf32, #tpu.memory_space<vmem>>
      %dma_wait3A_408 = arith.constant 0 : i32
      %dma_wait3A_409 = arith.constant 0 : i32
      %dma_wait3A_410 = tpu.memref_slice %arg2[%dma_wait3A_408, %dma_wait3A_409] : memref<1000000x64xf32, #tpu.memory_space<hbm>> -> memref<128x64xf32, #tpu.memory_space<hbm>>
      %dma_wait3A_411 = arith.constant 0 : i32
      %dma_wait3A_412 = arith.constant 0 : i32
      %dma_wait3A_413 = tpu.memref_slice %arg7[%dma_wait3A_403, %dma_wait3A_411, %dma_wait3A_412] : memref<4x128x64xf32, #tpu.memory_space<vmem>> -> memref<1x128x64xf32, #tpu.memory_space<vmem>>
      %dma_wait3A_414 = tpu.memref_squeeze %dma_wait3A_413 : memref<1x128x64xf32, #tpu.memory_space<vmem>> -> memref<128x64xf32, #tpu.memory_space<vmem>>
      %dma_wait3A_415 = arith.constant 0 : i32
      %dma_wait3A_416 = arith.constant 0 : i32
      %dma_wait3A_417 = tpu.memref_slice %arg2[%dma_wait3A_415, %dma_wait3A_416] : memref<1000000x64xf32, #tpu.memory_space<hbm>> -> memref<128x64xf32, #tpu.memory_space<hbm>>
      tpu.wait_dma2 semaphore(%arg9 : memref<!tpu.dma_semaphore, #tpu.memory_space<semaphore_mem>>) src(%dma_wait3A_417 : memref<128x64xf32, #tpu.memory_space<hbm>>) dst(%dma_wait3A_414 : memref<128x64xf32, #tpu.memory_space<vmem>>)
      %mul3A_418 = arith.constant 4 : i32
      %mul3A_419 = arith.muli %add3A_357, %mul3A_418 : i32
      %add3A_420 = arith.addi %mul3A_2, %mul3A_419 : i32
      "tpu.region"() ({
        %run_scoped3A = tpu.sem_alloc : memref<!tpu.dma_semaphore, #tpu.memory_space<semaphore_mem>>
        %dma_start3A_483 = arith.constant 0 : i32
        %dma_start3A_484 = arith.constant 0 : i32
        %dma_start3A_485 = tpu.memref_slice %arg4[%add3A_420, %dma_start3A_483, %dma_start3A_484] : memref<3328x128x64xf32, #tpu.memory_space<hbm>> -> memref<4x128x64xf32, #tpu.memory_space<hbm>>
        %dma_start3A_486 = arith.constant 0 : i32
        %dma_start3A_487 = arith.constant 0 : i32
        %dma_start3A_488 = tpu.memref_slice %arg4[%add3A_420, %dma_start3A_486, %dma_start3A_487] : memref<3328x128x64xf32, #tpu.memory_space<hbm>> -> memref<4x128x64xf32, #tpu.memory_space<hbm>>
        tpu.enqueue_dma source(%arg7 : memref<4x128x64xf32, #tpu.memory_space<vmem>>) target(%dma_start3A_488 : memref<4x128x64xf32, #tpu.memory_space<hbm>>) target_semaphore(%run_scoped3A : memref<!tpu.dma_semaphore, #tpu.memory_space<semaphore_mem>>)
        %dma_wait3A_489 = arith.constant 0 : i32
        %dma_wait3A_490 = arith.constant 0 : i32
        %dma_wait3A_491 = tpu.memref_slice %arg4[%add3A_420, %dma_wait3A_489, %dma_wait3A_490] : memref<3328x128x64xf32, #tpu.memory_space<hbm>> -> memref<4x128x64xf32, #tpu.memory_space<hbm>>
        %dma_wait3A_492 = arith.constant 0 : i32
        %dma_wait3A_493 = arith.constant 0 : i32
        %dma_wait3A_494 = tpu.memref_slice %arg4[%add3A_420, %dma_wait3A_492, %dma_wait3A_493] : memref<3328x128x64xf32, #tpu.memory_space<hbm>> -> memref<4x128x64xf32, #tpu.memory_space<hbm>>
        tpu.wait_dma2 semaphore(%run_scoped3A : memref<!tpu.dma_semaphore, #tpu.memory_space<semaphore_mem>>) src(%arg7 : memref<4x128x64xf32, #tpu.memory_space<vmem>>) dst(%dma_wait3A_494 : memref<4x128x64xf32, #tpu.memory_space<hbm>>)
        tpu.yield
      }) : () -> ()
      %add3A_421 = arith.constant 2 : i32
      %add3A_422 = arith.addi %add3A_357, %add3A_421 : i32
      %mul3A_423 = arith.constant 4 : i32
      %mul3A_424 = arith.muli %add3A_422, %mul3A_423 : i32
      %add3A_425 = arith.constant 0 : i32
      %add3A_426 = arith.addi %mul3A_424, %add3A_425 : i32
      %dma_start3A_427 = arith.constant 0 : i32
      %dma_start3A_428 = arith.constant 0 : i32
      %dma_start3A_429 = arith.constant 0 : i32
      %dma_start3A_430 = tpu.memref_slice %arg7[%dma_start3A_427, %dma_start3A_428, %dma_start3A_429] : memref<4x128x64xf32, #tpu.memory_space<vmem>> -> memref<1x128x64xf32, #tpu.memory_space<vmem>>
      %dma_start3A_431 = tpu.memref_squeeze %dma_start3A_430 : memref<1x128x64xf32, #tpu.memory_space<vmem>> -> memref<128x64xf32, #tpu.memory_space<vmem>>
      %dma_start3A_432 = arith.constant 0 : i32
      %dma_start3A_433 = tpu.memref_slice %arg5[%add3A_426, %dma_start3A_432] : memref<104x128xi32, #tpu.memory_space<vmem>> -> memref<1x128xi32, #tpu.memory_space<vmem>>
      %dma_start3A_434 = tpu.memref_squeeze %dma_start3A_433 : memref<1x128xi32, #tpu.memory_space<vmem>> -> memref<128xi32, #tpu.memory_space<vmem>>
      %dma_start3A_435 = arith.constant 0 : i32
      %dma_start3A_436 = arith.constant 0 : i32
      %dma_start3A_437 = tpu.memref_slice %arg2[%dma_start3A_435, %dma_start3A_436] : memref<1000000x64xf32, #tpu.memory_space<hbm>> -> memref<1000000x64xf32, #tpu.memory_space<hbm>>
      tpu.enqueue_indirect_dma source(%dma_start3A_437 : memref<1000000x64xf32, #tpu.memory_space<hbm>>) target(%dma_start3A_431 : memref<128x64xf32, #tpu.memory_space<vmem>>) offsets(%dma_start3A_434 : memref<128xi32, #tpu.memory_space<vmem>>) semaphore(%arg9 : memref<!tpu.dma_semaphore, #tpu.memory_space<semaphore_mem>>)
      %mul3A_438 = arith.constant 4 : i32
      %mul3A_439 = arith.muli %add3A_422, %mul3A_438 : i32
      %add3A_440 = arith.constant 1 : i32
      %add3A_441 = arith.addi %mul3A_439, %add3A_440 : i32
      %dma_start3A_442 = arith.constant 1 : i32
      %dma_start3A_443 = arith.constant 0 : i32
      %dma_start3A_444 = arith.constant 0 : i32
      %dma_start3A_445 = tpu.memref_slice %arg7[%dma_start3A_442, %dma_start3A_443, %dma_start3A_444] : memref<4x128x64xf32, #tpu.memory_space<vmem>> -> memref<1x128x64xf32, #tpu.memory_space<vmem>>
      %dma_start3A_446 = tpu.memref_squeeze %dma_start3A_445 : memref<1x128x64xf32, #tpu.memory_space<vmem>> -> memref<128x64xf32, #tpu.memory_space<vmem>>
      %dma_start3A_447 = arith.constant 0 : i32
      %dma_start3A_448 = tpu.memref_slice %arg5[%add3A_441, %dma_start3A_447] : memref<104x128xi32, #tpu.memory_space<vmem>> -> memref<1x128xi32, #tpu.memory_space<vmem>>
      %dma_start3A_449 = tpu.memref_squeeze %dma_start3A_448 : memref<1x128xi32, #tpu.memory_space<vmem>> -> memref<128xi32, #tpu.memory_space<vmem>>
      %dma_start3A_450 = arith.constant 0 : i32
      %dma_start3A_451 = arith.constant 0 : i32
      %dma_start3A_452 = tpu.memref_slice %arg2[%dma_start3A_450, %dma_start3A_451] : memref<1000000x64xf32, #tpu.memory_space<hbm>> -> memref<1000000x64xf32, #tpu.memory_space<hbm>>
      tpu.enqueue_indirect_dma source(%dma_start3A_452 : memref<1000000x64xf32, #tpu.memory_space<hbm>>) target(%dma_start3A_446 : memref<128x64xf32, #tpu.memory_space<vmem>>) offsets(%dma_start3A_449 : memref<128xi32, #tpu.memory_space<vmem>>) semaphore(%arg9 : memref<!tpu.dma_semaphore, #tpu.memory_space<semaphore_mem>>)
      %mul3A_453 = arith.constant 4 : i32
      %mul3A_454 = arith.muli %add3A_422, %mul3A_453 : i32
      %add3A_455 = arith.constant 2 : i32
      %add3A_456 = arith.addi %mul3A_454, %add3A_455 : i32
      %dma_start3A_457 = arith.constant 2 : i32
      %dma_start3A_458 = arith.constant 0 : i32
      %dma_start3A_459 = arith.constant 0 : i32
      %dma_start3A_460 = tpu.memref_slice %arg7[%dma_start3A_457, %dma_start3A_458, %dma_start3A_459] : memref<4x128x64xf32, #tpu.memory_space<vmem>> -> memref<1x128x64xf32, #tpu.memory_space<vmem>>
      %dma_start3A_461 = tpu.memref_squeeze %dma_start3A_460 : memref<1x128x64xf32, #tpu.memory_space<vmem>> -> memref<128x64xf32, #tpu.memory_space<vmem>>
      %dma_start3A_462 = arith.constant 0 : i32
      %dma_start3A_463 = tpu.memref_slice %arg5[%add3A_456, %dma_start3A_462] : memref<104x128xi32, #tpu.memory_space<vmem>> -> memref<1x128xi32, #tpu.memory_space<vmem>>
      %dma_start3A_464 = tpu.memref_squeeze %dma_start3A_463 : memref<1x128xi32, #tpu.memory_space<vmem>> -> memref<128xi32, #tpu.memory_space<vmem>>
      %dma_start3A_465 = arith.constant 0 : i32
      %dma_start3A_466 = arith.constant 0 : i32
      %dma_start3A_467 = tpu.memref_slice %arg2[%dma_start3A_465, %dma_start3A_466] : memref<1000000x64xf32, #tpu.memory_space<hbm>> -> memref<1000000x64xf32, #tpu.memory_space<hbm>>
      tpu.enqueue_indirect_dma source(%dma_start3A_467 : memref<1000000x64xf32, #tpu.memory_space<hbm>>) target(%dma_start3A_461 : memref<128x64xf32, #tpu.memory_space<vmem>>) offsets(%dma_start3A_464 : memref<128xi32, #tpu.memory_space<vmem>>) semaphore(%arg9 : memref<!tpu.dma_semaphore, #tpu.memory_space<semaphore_mem>>)
      %mul3A_468 = arith.constant 4 : i32
      %mul3A_469 = arith.muli %add3A_422, %mul3A_468 : i32
      %add3A_470 = arith.constant 3 : i32
      %add3A_471 = arith.addi %mul3A_469, %add3A_470 : i32
      %dma_start3A_472 = arith.constant 3 : i32
      %dma_start3A_473 = arith.constant 0 : i32
      %dma_start3A_474 = arith.constant 0 : i32
      %dma_start3A_475 = tpu.memref_slice %arg7[%dma_start3A_472, %dma_start3A_473, %dma_start3A_474] : memref<4x128x64xf32, #tpu.memory_space<vmem>> -> memref<1x128x64xf32, #tpu.memory_space<vmem>>
      %dma_start3A_476 = tpu.memref_squeeze %dma_start3A_475 : memref<1x128x64xf32, #tpu.memory_space<vmem>> -> memref<128x64xf32, #tpu.memory_space<vmem>>
      %dma_start3A_477 = arith.constant 0 : i32
      %dma_start3A_478 = tpu.memref_slice %arg5[%add3A_471, %dma_start3A_477] : memref<104x128xi32, #tpu.memory_space<vmem>> -> memref<1x128xi32, #tpu.memory_space<vmem>>
      %dma_start3A_479 = tpu.memref_squeeze %dma_start3A_478 : memref<1x128xi32, #tpu.memory_space<vmem>> -> memref<128xi32, #tpu.memory_space<vmem>>
      %dma_start3A_480 = arith.constant 0 : i32
      %dma_start3A_481 = arith.constant 0 : i32
      %dma_start3A_482 = tpu.memref_slice %arg2[%dma_start3A_480, %dma_start3A_481] : memref<1000000x64xf32, #tpu.memory_space<hbm>> -> memref<1000000x64xf32, #tpu.memory_space<hbm>>
      tpu.enqueue_indirect_dma source(%dma_start3A_482 : memref<1000000x64xf32, #tpu.memory_space<hbm>>) target(%dma_start3A_476 : memref<128x64xf32, #tpu.memory_space<vmem>>) offsets(%dma_start3A_479 : memref<128xi32, #tpu.memory_space<vmem>>) semaphore(%arg9 : memref<!tpu.dma_semaphore, #tpu.memory_space<semaphore_mem>>)
    }
    %scan3A_102 = arith.constant 12 : i32
    %dma_wait3A = arith.constant 0 : i32
    %dma_wait3A_103 = arith.constant 0 : i32
    %dma_wait3A_104 = arith.constant 0 : i32
    %dma_wait3A_105 = tpu.memref_slice %arg6[%dma_wait3A, %dma_wait3A_103, %dma_wait3A_104] : memref<4x128x64xf32, #tpu.memory_space<vmem>> -> memref<1x128x64xf32, #tpu.memory_space<vmem>>
    %dma_wait3A_106 = tpu.memref_squeeze %dma_wait3A_105 : memref<1x128x64xf32, #tpu.memory_space<vmem>> -> memref<128x64xf32, #tpu.memory_space<vmem>>
    %dma_wait3A_107 = arith.constant 0 : i32
    %dma_wait3A_108 = arith.constant 0 : i32
    %dma_wait3A_109 = tpu.memref_slice %arg2[%dma_wait3A_107, %dma_wait3A_108] : memref<1000000x64xf32, #tpu.memory_space<hbm>> -> memref<128x64xf32, #tpu.memory_space<hbm>>
    %dma_wait3A_110 = arith.constant 0 : i32
    %dma_wait3A_111 = arith.constant 0 : i32
    %dma_wait3A_112 = tpu.memref_slice %arg6[%dma_wait3A, %dma_wait3A_110, %dma_wait3A_111] : memref<4x128x64xf32, #tpu.memory_space<vmem>> -> memref<1x128x64xf32, #tpu.memory_space<vmem>>
    %dma_wait3A_113 = tpu.memref_squeeze %dma_wait3A_112 : memref<1x128x64xf32, #tpu.memory_space<vmem>> -> memref<128x64xf32, #tpu.memory_space<vmem>>
    %dma_wait3A_114 = arith.constant 0 : i32
    %dma_wait3A_115 = arith.constant 0 : i32
    %dma_wait3A_116 = tpu.memref_slice %arg2[%dma_wait3A_114, %dma_wait3A_115] : memref<1000000x64xf32, #tpu.memory_space<hbm>> -> memref<128x64xf32, #tpu.memory_space<hbm>>
    tpu.wait_dma2 semaphore(%arg8 : memref<!tpu.dma_semaphore, #tpu.memory_space<semaphore_mem>>) src(%dma_wait3A_116 : memref<128x64xf32, #tpu.memory_space<hbm>>) dst(%dma_wait3A_113 : memref<128x64xf32, #tpu.memory_space<vmem>>)
    %dma_wait3A_117 = arith.constant 1 : i32
    %dma_wait3A_118 = arith.constant 0 : i32
    %dma_wait3A_119 = arith.constant 0 : i32
    %dma_wait3A_120 = tpu.memref_slice %arg6[%dma_wait3A_117, %dma_wait3A_118, %dma_wait3A_119] : memref<4x128x64xf32, #tpu.memory_space<vmem>> -> memref<1x128x64xf32, #tpu.memory_space<vmem>>
    %dma_wait3A_121 = tpu.memref_squeeze %dma_wait3A_120 : memref<1x128x64xf32, #tpu.memory_space<vmem>> -> memref<128x64xf32, #tpu.memory_space<vmem>>
    %dma_wait3A_122 = arith.constant 0 : i32
    %dma_wait3A_123 = arith.constant 0 : i32
    %dma_wait3A_124 = tpu.memref_slice %arg2[%dma_wait3A_122, %dma_wait3A_123] : memref<1000000x64xf32, #tpu.memory_space<hbm>> -> memref<128x64xf32, #tpu.memory_space<hbm>>
    %dma_wait3A_125 = arith.constant 0 : i32
    %dma_wait3A_126 = arith.constant 0 : i32
    %dma_wait3A_127 = tpu.memref_slice %arg6[%dma_wait3A_117, %dma_wait3A_125, %dma_wait3A_126] : memref<4x128x64xf32, #tpu.memory_space<vmem>> -> memref<1x128x64xf32, #tpu.memory_space<vmem>>
    %dma_wait3A_128 = tpu.memref_squeeze %dma_wait3A_127 : memref<1x128x64xf32, #tpu.memory_space<vmem>> -> memref<128x64xf32, #tpu.memory_space<vmem>>
    %dma_wait3A_129 = arith.constant 0 : i32
    %dma_wait3A_130 = arith.constant 0 : i32
    %dma_wait3A_131 = tpu.memref_slice %arg2[%dma_wait3A_129, %dma_wait3A_130] : memref<1000000x64xf32, #tpu.memory_space<hbm>> -> memref<128x64xf32, #tpu.memory_space<hbm>>
    tpu.wait_dma2 semaphore(%arg8 : memref<!tpu.dma_semaphore, #tpu.memory_space<semaphore_mem>>) src(%dma_wait3A_131 : memref<128x64xf32, #tpu.memory_space<hbm>>) dst(%dma_wait3A_128 : memref<128x64xf32, #tpu.memory_space<vmem>>)
    %dma_wait3A_132 = arith.constant 2 : i32
    %dma_wait3A_133 = arith.constant 0 : i32
    %dma_wait3A_134 = arith.constant 0 : i32
    %dma_wait3A_135 = tpu.memref_slice %arg6[%dma_wait3A_132, %dma_wait3A_133, %dma_wait3A_134] : memref<4x128x64xf32, #tpu.memory_space<vmem>> -> memref<1x128x64xf32, #tpu.memory_space<vmem>>
    %dma_wait3A_136 = tpu.memref_squeeze %dma_wait3A_135 : memref<1x128x64xf32, #tpu.memory_space<vmem>> -> memref<128x64xf32, #tpu.memory_space<vmem>>
    %dma_wait3A_137 = arith.constant 0 : i32
    %dma_wait3A_138 = arith.constant 0 : i32
    %dma_wait3A_139 = tpu.memref_slice %arg2[%dma_wait3A_137, %dma_wait3A_138] : memref<1000000x64xf32, #tpu.memory_space<hbm>> -> memref<128x64xf32, #tpu.memory_space<hbm>>
    %dma_wait3A_140 = arith.constant 0 : i32
    %dma_wait3A_141 = arith.constant 0 : i32
    %dma_wait3A_142 = tpu.memref_slice %arg6[%dma_wait3A_132, %dma_wait3A_140, %dma_wait3A_141] : memref<4x128x64xf32, #tpu.memory_space<vmem>> -> memref<1x128x64xf32, #tpu.memory_space<vmem>>
    %dma_wait3A_143 = tpu.memref_squeeze %dma_wait3A_142 : memref<1x128x64xf32, #tpu.memory_space<vmem>> -> memref<128x64xf32, #tpu.memory_space<vmem>>
    %dma_wait3A_144 = arith.constant 0 : i32
    %dma_wait3A_145 = arith.constant 0 : i32
    %dma_wait3A_146 = tpu.memref_slice %arg2[%dma_wait3A_144, %dma_wait3A_145] : memref<1000000x64xf32, #tpu.memory_space<hbm>> -> memref<128x64xf32, #tpu.memory_space<hbm>>
    tpu.wait_dma2 semaphore(%arg8 : memref<!tpu.dma_semaphore, #tpu.memory_space<semaphore_mem>>) src(%dma_wait3A_146 : memref<128x64xf32, #tpu.memory_space<hbm>>) dst(%dma_wait3A_143 : memref<128x64xf32, #tpu.memory_space<vmem>>)
    %dma_wait3A_147 = arith.constant 3 : i32
    %dma_wait3A_148 = arith.constant 0 : i32
    %dma_wait3A_149 = arith.constant 0 : i32
    %dma_wait3A_150 = tpu.memref_slice %arg6[%dma_wait3A_147, %dma_wait3A_148, %dma_wait3A_149] : memref<4x128x64xf32, #tpu.memory_space<vmem>> -> memref<1x128x64xf32, #tpu.memory_space<vmem>>
    %dma_wait3A_151 = tpu.memref_squeeze %dma_wait3A_150 : memref<1x128x64xf32, #tpu.memory_space<vmem>> -> memref<128x64xf32, #tpu.memory_space<vmem>>
    %dma_wait3A_152 = arith.constant 0 : i32
    %dma_wait3A_153 = arith.constant 0 : i32
    %dma_wait3A_154 = tpu.memref_slice %arg2[%dma_wait3A_152, %dma_wait3A_153] : memref<1000000x64xf32, #tpu.memory_space<hbm>> -> memref<128x64xf32, #tpu.memory_space<hbm>>
    %dma_wait3A_155 = arith.constant 0 : i32
    %dma_wait3A_156 = arith.constant 0 : i32
    %dma_wait3A_157 = tpu.memref_slice %arg6[%dma_wait3A_147, %dma_wait3A_155, %dma_wait3A_156] : memref<4x128x64xf32, #tpu.memory_space<vmem>> -> memref<1x128x64xf32, #tpu.memory_space<vmem>>
    %dma_wait3A_158 = tpu.memref_squeeze %dma_wait3A_157 : memref<1x128x64xf32, #tpu.memory_space<vmem>> -> memref<128x64xf32, #tpu.memory_space<vmem>>
    %dma_wait3A_159 = arith.constant 0 : i32
    %dma_wait3A_160 = arith.constant 0 : i32
    %dma_wait3A_161 = tpu.memref_slice %arg2[%dma_wait3A_159, %dma_wait3A_160] : memref<1000000x64xf32, #tpu.memory_space<hbm>> -> memref<128x64xf32, #tpu.memory_space<hbm>>
    tpu.wait_dma2 semaphore(%arg8 : memref<!tpu.dma_semaphore, #tpu.memory_space<semaphore_mem>>) src(%dma_wait3A_161 : memref<128x64xf32, #tpu.memory_space<hbm>>) dst(%dma_wait3A_158 : memref<128x64xf32, #tpu.memory_space<vmem>>)
    %add3A_162 = arith.constant 96 : i32
    %add3A_163 = arith.addi %mul3A_2, %add3A_162 : i32
    "tpu.region"() ({
      %run_scoped3A = tpu.sem_alloc : memref<!tpu.dma_semaphore, #tpu.memory_space<semaphore_mem>>
      %dma_start3A_226 = arith.constant 0 : i32
      %dma_start3A_227 = arith.constant 0 : i32
      %dma_start3A_228 = tpu.memref_slice %arg4[%add3A_163, %dma_start3A_226, %dma_start3A_227] : memref<3328x128x64xf32, #tpu.memory_space<hbm>> -> memref<4x128x64xf32, #tpu.memory_space<hbm>>
      %dma_start3A_229 = arith.constant 0 : i32
      %dma_start3A_230 = arith.constant 0 : i32
      %dma_start3A_231 = tpu.memref_slice %arg4[%add3A_163, %dma_start3A_229, %dma_start3A_230] : memref<3328x128x64xf32, #tpu.memory_space<hbm>> -> memref<4x128x64xf32, #tpu.memory_space<hbm>>
      tpu.enqueue_dma source(%arg6 : memref<4x128x64xf32, #tpu.memory_space<vmem>>) target(%dma_start3A_231 : memref<4x128x64xf32, #tpu.memory_space<hbm>>) target_semaphore(%run_scoped3A : memref<!tpu.dma_semaphore, #tpu.memory_space<semaphore_mem>>)
      %dma_wait3A_232 = arith.constant 0 : i32
      %dma_wait3A_233 = arith.constant 0 : i32
      %dma_wait3A_234 = tpu.memref_slice %arg4[%add3A_163, %dma_wait3A_232, %dma_wait3A_233] : memref<3328x128x64xf32, #tpu.memory_space<hbm>> -> memref<4x128x64xf32, #tpu.memory_space<hbm>>
      %dma_wait3A_235 = arith.constant 0 : i32
      %dma_wait3A_236 = arith.constant 0 : i32
      %dma_wait3A_237 = tpu.memref_slice %arg4[%add3A_163, %dma_wait3A_235, %dma_wait3A_236] : memref<3328x128x64xf32, #tpu.memory_space<hbm>> -> memref<4x128x64xf32, #tpu.memory_space<hbm>>
      tpu.wait_dma2 semaphore(%run_scoped3A : memref<!tpu.dma_semaphore, #tpu.memory_space<semaphore_mem>>) src(%arg6 : memref<4x128x64xf32, #tpu.memory_space<vmem>>) dst(%dma_wait3A_237 : memref<4x128x64xf32, #tpu.memory_space<hbm>>)
      tpu.yield
    }) : () -> ()
    %dma_wait3A_164 = arith.constant 0 : i32
    %dma_wait3A_165 = arith.constant 0 : i32
    %dma_wait3A_166 = arith.constant 0 : i32
    %dma_wait3A_167 = tpu.memref_slice %arg7[%dma_wait3A_164, %dma_wait3A_165, %dma_wait3A_166] : memref<4x128x64xf32, #tpu.memory_space<vmem>> -> memref<1x128x64xf32, #tpu.memory_space<vmem>>
    %dma_wait3A_168 = tpu.memref_squeeze %dma_wait3A_167 : memref<1x128x64xf32, #tpu.memory_space<vmem>> -> memref<128x64xf32, #tpu.memory_space<vmem>>
    %dma_wait3A_169 = arith.constant 0 : i32
    %dma_wait3A_170 = arith.constant 0 : i32
    %dma_wait3A_171 = tpu.memref_slice %arg2[%dma_wait3A_169, %dma_wait3A_170] : memref<1000000x64xf32, #tpu.memory_space<hbm>> -> memref<128x64xf32, #tpu.memory_space<hbm>>
    %dma_wait3A_172 = arith.constant 0 : i32
    %dma_wait3A_173 = arith.constant 0 : i32
    %dma_wait3A_174 = tpu.memref_slice %arg7[%dma_wait3A_164, %dma_wait3A_172, %dma_wait3A_173] : memref<4x128x64xf32, #tpu.memory_space<vmem>> -> memref<1x128x64xf32, #tpu.memory_space<vmem>>
    %dma_wait3A_175 = tpu.memref_squeeze %dma_wait3A_174 : memref<1x128x64xf32, #tpu.memory_space<vmem>> -> memref<128x64xf32, #tpu.memory_space<vmem>>
    %dma_wait3A_176 = arith.constant 0 : i32
    %dma_wait3A_177 = arith.constant 0 : i32
    %dma_wait3A_178 = tpu.memref_slice %arg2[%dma_wait3A_176, %dma_wait3A_177] : memref<1000000x64xf32, #tpu.memory_space<hbm>> -> memref<128x64xf32, #tpu.memory_space<hbm>>
    tpu.wait_dma2 semaphore(%arg9 : memref<!tpu.dma_semaphore, #tpu.memory_space<semaphore_mem>>) src(%dma_wait3A_178 : memref<128x64xf32, #tpu.memory_space<hbm>>) dst(%dma_wait3A_175 : memref<128x64xf32, #tpu.memory_space<vmem>>)
    %dma_wait3A_179 = arith.constant 1 : i32
    %dma_wait3A_180 = arith.constant 0 : i32
    %dma_wait3A_181 = arith.constant 0 : i32
    %dma_wait3A_182 = tpu.memref_slice %arg7[%dma_wait3A_179, %dma_wait3A_180, %dma_wait3A_181] : memref<4x128x64xf32, #tpu.memory_space<vmem>> -> memref<1x128x64xf32, #tpu.memory_space<vmem>>
    %dma_wait3A_183 = tpu.memref_squeeze %dma_wait3A_182 : memref<1x128x64xf32, #tpu.memory_space<vmem>> -> memref<128x64xf32, #tpu.memory_space<vmem>>
    %dma_wait3A_184 = arith.constant 0 : i32
    %dma_wait3A_185 = arith.constant 0 : i32
    %dma_wait3A_186 = tpu.memref_slice %arg2[%dma_wait3A_184, %dma_wait3A_185] : memref<1000000x64xf32, #tpu.memory_space<hbm>> -> memref<128x64xf32, #tpu.memory_space<hbm>>
    %dma_wait3A_187 = arith.constant 0 : i32
    %dma_wait3A_188 = arith.constant 0 : i32
    %dma_wait3A_189 = tpu.memref_slice %arg7[%dma_wait3A_179, %dma_wait3A_187, %dma_wait3A_188] : memref<4x128x64xf32, #tpu.memory_space<vmem>> -> memref<1x128x64xf32, #tpu.memory_space<vmem>>
    %dma_wait3A_190 = tpu.memref_squeeze %dma_wait3A_189 : memref<1x128x64xf32, #tpu.memory_space<vmem>> -> memref<128x64xf32, #tpu.memory_space<vmem>>
    %dma_wait3A_191 = arith.constant 0 : i32
    %dma_wait3A_192 = arith.constant 0 : i32
    %dma_wait3A_193 = tpu.memref_slice %arg2[%dma_wait3A_191, %dma_wait3A_192] : memref<1000000x64xf32, #tpu.memory_space<hbm>> -> memref<128x64xf32, #tpu.memory_space<hbm>>
    tpu.wait_dma2 semaphore(%arg9 : memref<!tpu.dma_semaphore, #tpu.memory_space<semaphore_mem>>) src(%dma_wait3A_193 : memref<128x64xf32, #tpu.memory_space<hbm>>) dst(%dma_wait3A_190 : memref<128x64xf32, #tpu.memory_space<vmem>>)
    %dma_wait3A_194 = arith.constant 2 : i32
    %dma_wait3A_195 = arith.constant 0 : i32
    %dma_wait3A_196 = arith.constant 0 : i32
    %dma_wait3A_197 = tpu.memref_slice %arg7[%dma_wait3A_194, %dma_wait3A_195, %dma_wait3A_196] : memref<4x128x64xf32, #tpu.memory_space<vmem>> -> memref<1x128x64xf32, #tpu.memory_space<vmem>>
    %dma_wait3A_198 = tpu.memref_squeeze %dma_wait3A_197 : memref<1x128x64xf32, #tpu.memory_space<vmem>> -> memref<128x64xf32, #tpu.memory_space<vmem>>
    %dma_wait3A_199 = arith.constant 0 : i32
    %dma_wait3A_200 = arith.constant 0 : i32
    %dma_wait3A_201 = tpu.memref_slice %arg2[%dma_wait3A_199, %dma_wait3A_200] : memref<1000000x64xf32, #tpu.memory_space<hbm>> -> memref<128x64xf32, #tpu.memory_space<hbm>>
    %dma_wait3A_202 = arith.constant 0 : i32
    %dma_wait3A_203 = arith.constant 0 : i32
    %dma_wait3A_204 = tpu.memref_slice %arg7[%dma_wait3A_194, %dma_wait3A_202, %dma_wait3A_203] : memref<4x128x64xf32, #tpu.memory_space<vmem>> -> memref<1x128x64xf32, #tpu.memory_space<vmem>>
    %dma_wait3A_205 = tpu.memref_squeeze %dma_wait3A_204 : memref<1x128x64xf32, #tpu.memory_space<vmem>> -> memref<128x64xf32, #tpu.memory_space<vmem>>
    %dma_wait3A_206 = arith.constant 0 : i32
    %dma_wait3A_207 = arith.constant 0 : i32
    %dma_wait3A_208 = tpu.memref_slice %arg2[%dma_wait3A_206, %dma_wait3A_207] : memref<1000000x64xf32, #tpu.memory_space<hbm>> -> memref<128x64xf32, #tpu.memory_space<hbm>>
    tpu.wait_dma2 semaphore(%arg9 : memref<!tpu.dma_semaphore, #tpu.memory_space<semaphore_mem>>) src(%dma_wait3A_208 : memref<128x64xf32, #tpu.memory_space<hbm>>) dst(%dma_wait3A_205 : memref<128x64xf32, #tpu.memory_space<vmem>>)
    %dma_wait3A_209 = arith.constant 3 : i32
    %dma_wait3A_210 = arith.constant 0 : i32
    %dma_wait3A_211 = arith.constant 0 : i32
    %dma_wait3A_212 = tpu.memref_slice %arg7[%dma_wait3A_209, %dma_wait3A_210, %dma_wait3A_211] : memref<4x128x64xf32, #tpu.memory_space<vmem>> -> memref<1x128x64xf32, #tpu.memory_space<vmem>>
    %dma_wait3A_213 = tpu.memref_squeeze %dma_wait3A_212 : memref<1x128x64xf32, #tpu.memory_space<vmem>> -> memref<128x64xf32, #tpu.memory_space<vmem>>
    %dma_wait3A_214 = arith.constant 0 : i32
    %dma_wait3A_215 = arith.constant 0 : i32
    %dma_wait3A_216 = tpu.memref_slice %arg2[%dma_wait3A_214, %dma_wait3A_215] : memref<1000000x64xf32, #tpu.memory_space<hbm>> -> memref<128x64xf32, #tpu.memory_space<hbm>>
    %dma_wait3A_217 = arith.constant 0 : i32
    %dma_wait3A_218 = arith.constant 0 : i32
    %dma_wait3A_219 = tpu.memref_slice %arg7[%dma_wait3A_209, %dma_wait3A_217, %dma_wait3A_218] : memref<4x128x64xf32, #tpu.memory_space<vmem>> -> memref<1x128x64xf32, #tpu.memory_space<vmem>>
    %dma_wait3A_220 = tpu.memref_squeeze %dma_wait3A_219 : memref<1x128x64xf32, #tpu.memory_space<vmem>> -> memref<128x64xf32, #tpu.memory_space<vmem>>
    %dma_wait3A_221 = arith.constant 0 : i32
    %dma_wait3A_222 = arith.constant 0 : i32
    %dma_wait3A_223 = tpu.memref_slice %arg2[%dma_wait3A_221, %dma_wait3A_222] : memref<1000000x64xf32, #tpu.memory_space<hbm>> -> memref<128x64xf32, #tpu.memory_space<hbm>>
    tpu.wait_dma2 semaphore(%arg9 : memref<!tpu.dma_semaphore, #tpu.memory_space<semaphore_mem>>) src(%dma_wait3A_223 : memref<128x64xf32, #tpu.memory_space<hbm>>) dst(%dma_wait3A_220 : memref<128x64xf32, #tpu.memory_space<vmem>>)
    %add3A_224 = arith.constant 100 : i32
    %add3A_225 = arith.addi %mul3A_2, %add3A_224 : i32
    "tpu.region"() ({
      %run_scoped3A = tpu.sem_alloc : memref<!tpu.dma_semaphore, #tpu.memory_space<semaphore_mem>>
      %dma_start3A_226 = arith.constant 0 : i32
      %dma_start3A_227 = arith.constant 0 : i32
      %dma_start3A_228 = tpu.memref_slice %arg4[%add3A_225, %dma_start3A_226, %dma_start3A_227] : memref<3328x128x64xf32, #tpu.memory_space<hbm>> -> memref<4x128x64xf32, #tpu.memory_space<hbm>>
      %dma_start3A_229 = arith.constant 0 : i32
      %dma_start3A_230 = arith.constant 0 : i32
      %dma_start3A_231 = tpu.memref_slice %arg4[%add3A_225, %dma_start3A_229, %dma_start3A_230] : memref<3328x128x64xf32, #tpu.memory_space<hbm>> -> memref<4x128x64xf32, #tpu.memory_space<hbm>>
      tpu.enqueue_dma source(%arg7 : memref<4x128x64xf32, #tpu.memory_space<vmem>>) target(%dma_start3A_231 : memref<4x128x64xf32, #tpu.memory_space<hbm>>) target_semaphore(%run_scoped3A : memref<!tpu.dma_semaphore, #tpu.memory_space<semaphore_mem>>)
      %dma_wait3A_232 = arith.constant 0 : i32
      %dma_wait3A_233 = arith.constant 0 : i32
      %dma_wait3A_234 = tpu.memref_slice %arg4[%add3A_225, %dma_wait3A_232, %dma_wait3A_233] : memref<3328x128x64xf32, #tpu.memory_space<hbm>> -> memref<4x128x64xf32, #tpu.memory_space<hbm>>
      %dma_wait3A_235 = arith.constant 0 : i32
      %dma_wait3A_236 = arith.constant 0 : i32
      %dma_wait3A_237 = tpu.memref_slice %arg4[%add3A_225, %dma_wait3A_235, %dma_wait3A_236] : memref<3328x128x64xf32, #tpu.memory_space<hbm>> -> memref<4x128x64xf32, #tpu.memory_space<hbm>>
      tpu.wait_dma2 semaphore(%run_scoped3A : memref<!tpu.dma_semaphore, #tpu.memory_space<semaphore_mem>>) src(%arg7 : memref<4x128x64xf32, #tpu.memory_space<vmem>>) dst(%dma_wait3A_237 : memref<4x128x64xf32, #tpu.memory_space<hbm>>)
      tpu.yield
    }) : () -> ()
    return
  }
}

</mosaic_0001>

<sc_bundles>
// kernel: kernel.3.cloned.1.call-start
scs
__scs_entry_jumppad:
0x0: {  	(pc) =	sbr.rel $0x88, $3  }
0x1: {  	(tag) =	ssettag $0x0;
	lr =	simm.s32 $0x1  }
0x2: {  	[smem:$0x3F9F] =	sst lr;
	_ =	strace $0xD0000000  }
0x3: {  	_ = 	snop  }
0x4: {  	_ = 	snop  }
0x5: {  	_ = 	snop  }
0x6: {  	_ = 	snop  }
0x7: {  	_ = 	snop  }
__scs_overlays_trampoline_lowered:
0x8: {  	[smem:$0x3FAE] =	sst s0  }
0x9: {  	[smem:$0x3FAF] =	sst s1  }
0xa: {  	[smem:$0x3FB0] =	sst s2  }
0xb: {  	[smem:$0x3FB1] =	sst s3  }
0xc: {  	[smem:$0x3FB2] =	sst s4  }
0xd: {  	[smem:$0x3FB3] =	sst s5  }
0xe: {  	[smem:$0x3FB4] =	sst s6  }
0xf: {  	[smem:$0x3FB5] =	sst s7  }
0x10: {  	[smem:$0x3FB6] =	sst s8  }
0x11: {  	[smem:$0x3FB7] =	sst s9;
	s0 =	simm.s32 @!p0 $0x0  }
0x12: {  	s1 =	sld [smem:$0x3F9D];
	s0 =	simm.s32 @p0 $0x1  }
0x13: {  	[smem:$0x3FB8] =	sst s0;
	s0 =	simm.s32 @!p1 $0x0  }
0x14: {  	s2 =	sld [smem:$0x3F9C];
	s0 =	simm.s32 @p1 $0x1  }
0x15: {  	[smem:$0x3FB9] =	sst s0;
	s0 =	simm.s32 @!p2 $0x0  }
0x16: {  	s3 =	sld [smem:$0x3FDB];
	s0 =	simm.s32 @p2 $0x1  }
0x17: {  	s4 =	simm.s32 $0x1BF5;
	[smem:$0x3FBB] =	sst s0  }
0x18: {  	s0 =	sld [smem:$0x3F9E];
	_ =	swait.ge [sflag:s4], $0x0  }
0x19: {  	s7 =	sld [smem:$0x3F9F]  }
0x1a: {  	s8 =	sadd.s32 $0xFFFFE003, lr  }
0x1b: {  	s9 =	sadd.s32 $0xFFFFFEF7, lr;
	s5 =	simm.s32 $0xFFFFFFFF;
	p2 =	slt.u32 s8, $0xFFFFF086  }
0x1c: {  	p1 =	slt.u32 s9, $0xF7A;
	s5 =	simm.s32 @!p2 $0x0  }
0x1d: {  	s5 =	simm.s32 @p1 $0x1;
	p0 =	seq.s32 s7, s2  }
0x1e: {  	s7 =	smul.u32 @!p0 $0xF7A, s2;
	p2 =	seq.s32 @!p0 s5, $0x0  }
0x1f: {  	s9 =	smul.u32 $0xF7A, s1;
	s8 =	simm.s32 @!p0 $0x1BF5;
	p2 =	por !p2, p0  }
0x20: {  	[sflag:s8] =	ssyncset.s32 @!p0 $0xFFFFF086;
	s6 =	sadd.s32 @!p0 s3, s7;
	s7 =	simm.s32 @!p0 $0x108  }
0x21: {  	s3 =	sadd.s32 s3, s9;
	s6 =	sadd.s32 @!p0 $0x88, s6;
	s7 =	simm.s32 @p2 $0x1082  }
0x22: {  	[simem:s7], [sflag:s8] =	dma.local @!p0 [hbm:s6], $0xF7A  }
0x23: {  	s9 =	sor.u32 $0xD0000000, s2;
	s6 =	simm.s32 $0x108;
	_ =	swait.ge @!p0 [sflag:s8], $0x0  }
0x24: {  	s3 =	sadd.s32 $0x88, s3;
	s6 =	simm.s32 @!p1 $0x1082;
	[sflag:s4] =	ssyncset.s32 $0xFFFFF086  }
0x25: {  	[simem:s6], [sflag:s4] =	dma.local [hbm:s3], $0xF7A  }
0x26: {  	[smem:$0x3F9F] =	sst s1;
	(tag) =	ssettag s2;
	_ =	strace s9  }
0x27: {  	s1 =	sld [smem:$0x3FAF]  }
0x28: {  	s2 =	sld [smem:$0x3FB0]  }
0x29: {  	s4 =	sld [smem:$0x3FB2]  }
0x2a: {  	p0 =	seq.s32 s5, $0x0;
	s5 =	sld [smem:$0x3FB3]  }
0x2b: {  	s6 =	sld [smem:$0x3FB4]  }
0x2c: {  	s7 =	sld [smem:$0x3FB5]  }
0x2d: {  	s3 =	simm.s32 $0x108;
	s8 =	sld [smem:$0x3FB6]  }
0x2e: {  	s3 =	simm.s32 @!p0 $0x1082;
	s9 =	sld [smem:$0x3FB7]  }
0x2f: {  	lr =	sadd.s32 s0, s3;
	s0 =	sld [smem:$0x3FAE]  }
0x30: {  	s3 =	sld [smem:$0x3FB1]  }
0x31: {  	[smem:$0x3FBA] =	sst s10  }
0x32: {  	s10 =	sld [smem:$0x3FB8];
	_ =	sdelay $0x3  }
0x33: {  	p0 =	seq.s32 s10, $0x1;
	s10 =	sld [smem:$0x3FBA];
	_ =	sdelay $0x3  }
0x34: {  	[smem:$0x3FBA] =	sst s10  }
0x35: {  	s10 =	sld [smem:$0x3FB9];
	_ =	sdelay $0x3  }
0x36: {  	p1 =	seq.s32 s10, $0x1;
	s10 =	sld [smem:$0x3FBA];
	_ =	sdelay $0x3  }
0x37: {  	[smem:$0x3FBA] =	sst s10  }
0x38: {  	s10 =	sld [smem:$0x3FBB]  }
0x39: {  	_ = 	snop;
	(pc) =	sbr.ind lr, $3  }
0x3a: {  	_ = 	snop  }
0x3b: {  	_ = 	snop  }
0x3c: {  	p2 =	seq.s32 s10, $0x1;
	s10 =	sld [smem:$0x3FBA]  }
0x3d: {  	_ =	shalt  }
0x3e: {  	_ =	shalt  }
0x3f: {  	_ =	shalt  }
0x40: {  	_ =	shalt  }
0x41: {  	_ =	shalt  }
0x42: {  	_ =	shalt  }
0x43: {  	_ =	shalt  }
0x44: {  	_ =	shalt  }
0x45: {  	_ =	shalt  }
0x46: {  	_ =	shalt  }
0x47: {  	_ =	shalt  }
0x48: {  	_ =	shalt  }
0x49: {  	_ =	shalt  }
0x4a: {  	_ =	shalt  }
0x4b: {  	_ =	shalt  }
0x4c: {  	_ =	shalt  }
0x4d: {  	_ =	shalt  }
0x4e: {  	_ =	shalt  }
0x4f: {  	_ =	shalt  }
0x50: {  	_ =	shalt  }
0x51: {  	_ =	shalt  }
0x52: {  	_ =	shalt  }
0x53: {  	_ =	shalt  }
0x54: {  	_ =	shalt  }
0x55: {  	_ =	shalt  }
0x56: {  	_ =	shalt  }
0x57: {  	_ =	shalt  }
0x58: {  	_ =	shalt  }
0x59: {  	_ =	shalt  }
0x5a: {  	_ =	shalt  }
0x5b: {  	_ =	shalt  }
0x5c: {  	_ =	shalt  }
0x5d: {  	_ =	shalt  }
0x5e: {  	_ =	shalt  }
0x5f: {  	_ =	shalt  }
0x60: {  	_ =	shalt  }
0x61: {  	_ =	shalt  }
0x62: {  	_ =	shalt  }
0x63: {  	_ =	shalt  }
0x64: {  	_ =	shalt  }
0x65: {  	_ =	shalt  }
0x66: {  	_ =	shalt  }
0x67: {  	_ =	shalt  }
0x68: {  	_ =	shalt  }
0x69: {  	_ =	shalt  }
0x6a: {  	_ =	shalt  }
0x6b: {  	_ =	shalt  }
0x6c: {  	_ =	shalt  }
0x6d: {  	_ =	shalt  }
0x6e: {  	_ =	shalt  }
0x6f: {  	_ =	shalt  }
0x70: {  	_ =	shalt  }
0x71: {  	_ =	shalt  }
0x72: {  	_ =	shalt  }
0x73: {  	_ =	shalt  }
0x74: {  	_ =	shalt  }
0x75: {  	_ =	shalt  }
0x76: {  	_ =	shalt  }
0x77: {  	_ =	shalt  }
0x78: {  	_ =	shalt  }
0x79: {  	_ =	shalt  }
0x7a: {  	_ =	shalt  }
0x7b: {  	_ =	shalt  }
0x7c: {  	_ =	shalt  }
0x7d: {  	_ =	shalt  }
0x7e: {  	_ =	shalt  }
0x7f: {  	_ =	shalt  }
0x80: {  	_ =	shalt  }
0x81: {  	_ =	shalt  }
0x82: {  	_ =	shalt  }
0x83: {  	_ =	shalt  }
0x84: {  	_ =	shalt  }
0x85: {  	_ =	shalt  }
0x86: {  	_ =	shalt  }
0x87: {  	_ =	shalt  }
.Lfunc_end0:
.L_simem_size_0:
called_computation.1_lowered:
.L_overlay_start_0:
0x88: {  	s2 =	sld [smem:$0x3FD9]  }
0x89: {  	s3 =	sld [smem:$0x3FFE];
	_ =	sdelay $0x1  }
0x8a: {  	s1 =	srdreg.scid  }
0x8b: {  	s0 =	sand.u32 $0x1, s1  }
0x8c: {  	s17 =	sshll.u32 s0, $0xA;
	s2 =	sadd.s32 s3, s2  }
0x8d: {  	s2 =	sadd.s32 s2, s17  }
0x8e: {  	[smem:$0x3FC6] =	sst s2  }
0x8f: {  	_ = 	snop  }
0x90: {  	s2 =	sld [smem:$0x3FD0];
	(tm) =	ssettm $0x1  }
0x91: {  	s18 =	sld [smem:$0x3FFB];
	_ =	sdelay $0x3  }
0x92: {  	_ =	strace s18  }
0x93: {  	s3 =	sld [smem:$0x3FFC];
	_ =	sdelay $0x3  }
0x94: {  	_ =	strace s3  }
0x95: {  	s3 =	sld [smem:$0x3FFD];
	_ =	sdelay $0x3  }
0x96: {  	_ =	strace s3  }
0x97: {  	_ =	strace $0x8FFFFFFF  }
0x98: {  	s19 =	sld [smem:$0x3FDB];
	_ =	sdelay $0x1  }
0x99: {  	s4 =	simm.s32 $_scs_section_size  }
0x9a: {  	s5 =	simm.s32 $_size__tile_overlayer_lowered;
	s6 =	simm.s32 $_tile_overlayer_lowered  }
0x9b: {  	s22 =	simm.s32 $0x1BFF;
	s21 =	sshll.u32 s6, $0x1;
	s3 =	sadd.s32 s4, s19  }
0x9c: {  	s7 =	simm.s32 $0x0;
	s20 =	sshll.u32 s5, $0x1;
	s5 =	sadd.s32 s21, s3  }
0x9d: {  	[timem:s7], [sflag:s22] =	dma.local [hbm:s5], s20  }
0x9e: {  	_ =	swait.ge [sflag:s22], s20  }
0x9f: {  	s4 =	ssub.s32 $0x0, s20;
	[sflag:s22] =	ssyncset.done $0x0  }
0xa0: {  	[sflag:s22] =	ssyncadd.s32 s4;
	_ =	sdelay $0x1  }
0xa1: {  	s23 =	simm.s32 $0x1B8B  }
0xa2: {  	_ =	swait.ge [sflag:s23], $0x1  }
0xa3: {  	[sflag:s23] =	ssyncset.done $0x0  }
0xa4: {  	s25 =	simm.s32 $0x1B8E;
	s24 =	sld [smem:$0x3FFE];
	[sflag:s23] =	ssyncadd.s32 $0xFFFFFFFF  }
0xa5: {  	s26 =	simm.s32 $execute0_lowered;
	[smem:$0x3FD2] =	sst s25  }
0xa6: {  	s5 =	sshll.u32 s26, $0x1;
	_ =	strace $0x80000046;
	[dreg:$0x1] =	wrdreg $0xFFFFFFFF  }
0xa7: {  	s28 =	simm.s32 $_size_execute0_lowered;
	s3 =	sadd.s32 s3, s5;
	[dreg:$0x0] =	wrdreg $0x0  }
0xa8: {  	s5 =	sshll.u32 s28, $0x1;
	[dreg:$0x2] =	wrdreg s3  }
0xa9: {  	[dreg:$0x3] =	wrdreg s5  }
0xaa: {  	[dreg:$0x4] =	wrdreg $0xC0  }
0xab: {  	_ =	task [dreg:s7], $0x5FFFF  }
0xac: {  	[dreg:$0x1] =	wrdreg $0xFFFFFFFF  }
0xad: {  	[dreg:$0x0] =	wrdreg $0x60  }
0xae: {  	[dreg:$0x2] =	wrdreg s24  }
0xaf: {  	[dreg:$0x3] =	wrdreg s2  }
0xb0: {  	[dreg:$0x4] =	wrdreg $0x9  }
0xb1: {  	_ =	task.clear_ibuf [dreg:s7], $0x5FFFF;
	_ =	strace $0x90000046  }
0xb2: {  	s29 =	simm.s32 $0x9;
	_ =	strace $0x80000048  }
0xb3: {  	_ =	swait.ge [sflag:s29], $0x1  }
0xb4: {  	[sflag:s29] =	ssyncadd.s32 $0xFFFFFFFF  }
0xb5: {  	_ =	strace $0x90000048  }
0xb6: {  	_ =	sfence  }
0xb7: {  	s30 =	sld [smem:$0x0];
	_ =	sdelay $0x2  }
0xb8: {  	s31 =	sshll.u32 s1, $0xD;
	s1 =	sshrl.u32 s1, $0x2  }
0xb9: {  	s3 =	sand.u32 $0x4000, s31;
	s1 =	sadd.s32 s1, s30  }
0xba: {  	s0 =	sor.u32 s3, s0;
	s1 =	sshll.u32 s1, $0x11  }
0xbb: {  	s0 =	sor.u32 s1, s0  }
0xbc: {  	s0 =	sadd.s32 $0x8F2B, s0  }
0xbd: {  	[sflag:s0] =	ssyncadd.remote.s32 $0x1  }
0xbe: {  	_ =	sfence.sel $0xFFFF  }
0xbf: {  	[dreg:$0x0] =	wrdreg $0xFFFFFFFF;
	(pc) =	sbr.abs _section_cstart, $3  }
0xc0: {  	[dreg:$0x1] =	wrdreg $0xFFFFFFFF  }
0xc1: {  	_ =	task.clear_ibuf [dreg:s7], $0x2FFFF;
	_ =	strace $0x9FFFFFFF  }
0xc2: {  	(tm) =	ssettm $0x7FFFFFFF  }
0xc3: {  	_ =	shalt  }
tec
execute0_lowered:
.L_overlay_start_1:
0x0: {  	(tag) =	ssettag $0x1  }
0x1: {  	s0 =	rddreg [dreg:$0x0]  }
0x2: {  	s1 =	rddreg [dreg:$0x1];
	s3 =	srdreg.scid  }
0x3: {  	s9 =	stileid.u32;
	s2 =	simm.s32 $0x0;
	s12 =	simm.s32 $0x3400  }
0x4: {  	s13 =	simm.s32 $0x5400;
	s15 =	simm.s32 $0x7400;
	s16 =	simm.s32 $0x180  }
0x5: {  	s17 =	simm.s32 $0x9400;
	s18 =	simm.s32 $0x200;
	s19 =	simm.s32 $0xB400  }
0x6: {  	s20 =	simm.s32 $0x280;
	s21 =	simm.s32 $0xD400;
	s22 =	simm.s32 $0x300  }
0x7: {  	s23 =	simm.s32 $0xF400;
	s24 =	simm.s32 $0x380;
	s28 =	simm.s32 $0x2  }
0x8: {  	s29 =	simm.s32 $0x0;
	s6 =	sand.u32 $0x1, s3;
	s7 =	smul.u32 $0x34000, s9  }
0x9: {  	s25 =	sshll.u32 s9, $0x1;
	[smem:$0x7FF] =	sst s2;
	s9 =	smul.u32 $0x1A0000, s9  }
0xa: {  	s3 =	sadd.s32 $0xF42E00, s0;
	s4 =	sor.u32 s6, s25;
	s11 =	smul.u32 $0xD0000, s6  }
0xb: {  	_ =	strace $0x80000047;
	s26 =	ssub.s32 $0x2, s6;
	s30 =	smul.u32 $0x1A000, s6  }
0xc: {  	s25 =	simm.s32 $0x11400;
	s5 =	smul.u32 $0x680, s4;
	s8 =	sshrl.u32 s26, $0x1  }
0xd: {  	s4 =	smul.u32 $0xD0000, s4;
	s31 =	sadd.s32 s7, s1;
	s8 =	ssub.s32 s26, s8  }
0xe: {  	s9 =	sadd.s32 s11, s9;
	s11 =	simm.s32 $0x80;
	s26 =	simm.s32 $0x1  }
0xf: {  	s0 =	sadd.s32 s5, s0;
	s4 =	sshrl.u32 s4, $0x3;
	s7 =	smax.u32 s8, $0x1  }
0x10: {  	s9 =	sshrl.u32 s9, $0x3;
	s10 =	sadd.s32 s1, s4;
	s4 =	sadd.s32 $0xA00, s0  }
0x11: {  	s0 =	sadd.s32 s30, s31;
	s9 =	sadd.s32 s9, s1;
	s5 =	sadd.s32 $0x18000, s10  }
0x12: {  	s6 =	sadd.s32 $0x19000, s10;
	s8 =	sadd.s32 $0x1000, s0;
	s10 =	simm.s32 $0x3  }
.LBB2_1:
0x13: {  	[tilespmem:s2], [sflag:$0x3] =	stream.linear.gather [hbm4b:s4+s2], $0x3400, $0x38;
	[tilespmem:$0x13400] =	vst v63  }
0x14: {  	_ =	swait.ge [sflag:s10], $0x3400  }
0x15: {  	[sflag:s10] =	ssyncset.done $0x0  }
0x16: {  	[sflag:s10] =	ssyncadd.s32 $0xFFFFCC00  }
0x17: {  	[tilespmem:s12], [sflag:$0x1] =	stream.indirect.gather [hbm4b:s3+s11], $0x40, s2, s11, $0xb8;
	[tilespmem:$0x13400] =	vst v63  }
0x18: {  	_ = 	snop  }
0x19: {  	[tilespmem:s13], [sflag:$0x1] =	stream.indirect.gather [hbm4b:s3+s11], $0x40, s11, s11, $0xb8;
	[tilespmem:$0x13400] =	vst v63  }
0x1a: {  	s0 =	simm.s32 $0x100  }
0x1b: {  	[tilespmem:s15], [sflag:$0x1] =	stream.indirect.gather [hbm4b:s3+s11], $0x40, s0, s11, $0xb8;
	[tilespmem:$0x13400] =	vst v63  }
0x1c: {  	_ = 	snop  }
0x1d: {  	[tilespmem:s17], [sflag:$0x1] =	stream.indirect.gather [hbm4b:s3+s11], $0x40, s16, s11, $0xb8;
	[tilespmem:$0x13400] =	vst v63  }
0x1e: {  	_ = 	snop  }
0x1f: {  	[tilespmem:s19], [sflag:$0x2] =	stream.indirect.gather [hbm4b:s3+s11], $0x40, s18, s11, $0xb8;
	[tilespmem:$0x13400] =	vst v63  }
0x20: {  	_ = 	snop  }
0x21: {  	[tilespmem:s21], [sflag:$0x2] =	stream.indirect.gather [hbm4b:s3+s11], $0x40, s20, s11, $0xb8;
	[tilespmem:$0x13400] =	vst v63  }
0x22: {  	_ = 	snop  }
0x23: {  	[tilespmem:s23], [sflag:$0x2] =	stream.indirect.gather [hbm4b:s3+s11], $0x40, s22, s11, $0xb8;
	[tilespmem:$0x13400] =	vst v63  }
0x24: {  	_ = 	snop  }
0x25: {  	[tilespmem:s25], [sflag:$0x2] =	stream.indirect.gather [hbm4b:s3+s11], $0x40, s24, s11, $0xb8;
	[tilespmem:$0x13400] =	vst v63  }
0x26: {  	_ =	swait.ge [sflag:s26], $0x2000  }
0x27: {  	[sflag:s26] =	ssyncset.done $0x0  }
0x28: {  	[sflag:s26] =	ssyncadd.s32 $0xFFFFE000  }
0x29: {  	_ =	swait.ge [sflag:s26], $0x2000  }
0x2a: {  	[sflag:s26] =	ssyncset.done $0x0  }
0x2b: {  	[sflag:s26] =	ssyncadd.s32 $0xFFFFE000  }
0x2c: {  	_ =	swait.ge [sflag:s26], $0x2000  }
0x2d: {  	[sflag:s26] =	ssyncset.done $0x0  }
0x2e: {  	[sflag:s26] =	ssyncadd.s32 $0xFFFFE000  }
0x2f: {  	_ =	swait.ge [sflag:s26], $0x2000  }
0x30: {  	[sflag:s26] =	ssyncset.done $0x0  }
0x31: {  	[sflag:s26] =	ssyncadd.s32 $0xFFFFE000  }
0x32: {  	[hbm4b:s9+s2] =	stream.linear.scatter [tilespmem:s12], [sflag:$0x3], $0x8000, $0x38;
	[tilespmem:$0x13400] =	vst v63  }
0x33: {  	_ =	swait.ge [sflag:s10], $0x8000  }
0x34: {  	[sflag:s10] =	ssyncset.done $0x0  }
0x35: {  	s14 =	simm.s32 $0x400;
	[sflag:s10] =	ssyncadd.s32 $0xFFFF8000  }
0x36: {  	[tilespmem:s12], [sflag:$0x1] =	stream.indirect.gather [hbm4b:s3+s11], $0x40, s14, s11, $0xb8;
	[tilespmem:$0x13400] =	vst v63  }
0x37: {  	s1 =	simm.s32 $0x480  }
0x38: {  	[tilespmem:s13], [sflag:$0x1] =	stream.indirect.gather [hbm4b:s3+s11], $0x40, s1, s11, $0xb8;
	[tilespmem:$0x13400] =	vst v63  }
0x39: {  	s14 =	simm.s32 $0x500  }
0x3a: {  	[tilespmem:s15], [sflag:$0x1] =	stream.indirect.gather [hbm4b:s3+s11], $0x40, s14, s11, $0xb8;
	[tilespmem:$0x13400] =	vst v63  }
0x3b: {  	s1 =	simm.s32 $0x580  }
0x3c: {  	[tilespmem:s17], [sflag:$0x1] =	stream.indirect.gather [hbm4b:s3+s11], $0x40, s1, s11, $0xb8;
	[tilespmem:$0x13400] =	vst v63  }
0x3d: {  	_ =	swait.ge [sflag:s28], $0x2000  }
0x3e: {  	[sflag:s28] =	ssyncset.done $0x0  }
0x3f: {  	[sflag:s28] =	ssyncadd.s32 $0xFFFFE000  }
0x40: {  	_ =	swait.ge [sflag:s28], $0x2000  }
0x41: {  	[sflag:s28] =	ssyncset.done $0x0  }
0x42: {  	[sflag:s28] =	ssyncadd.s32 $0xFFFFE000  }
0x43: {  	_ =	swait.ge [sflag:s28], $0x2000  }
0x44: {  	[sflag:s28] =	ssyncset.done $0x0  }
0x45: {  	[sflag:s28] =	ssyncadd.s32 $0xFFFFE000  }
0x46: {  	_ =	swait.ge [sflag:s28], $0x2000  }
0x47: {  	[sflag:s28] =	ssyncset.done $0x0  }
0x48: {  	[sflag:s28] =	ssyncadd.s32 $0xFFFFE000  }
0x49: {  	[hbm4b:s8+s2] =	stream.linear.scatter [tilespmem:s19], [sflag:$0x3], $0x8000, $0x38;
	[tilespmem:$0x13400] =	vst v63  }
0x4a: {  	_ =	swait.ge [sflag:s10], $0x8000  }
0x4b: {  	[sflag:s10] =	ssyncset.done $0x0  }
0x4c: {  	s14 =	simm.s32 $0x600;
	[sflag:s10] =	ssyncadd.s32 $0xFFFF8000  }
0x4d: {  	[tilespmem:s19], [sflag:$0x2] =	stream.indirect.gather [hbm4b:s3+s11], $0x40, s14, s11, $0xb8;
	[tilespmem:$0x13400] =	vst v63  }
0x4e: {  	s30 =	simm.s32 $0x1000;
	s31 =	sadd.s32 $0x2000, s8;
	s1 =	simm.s32 $0x680  }
0x4f: {  	[tilespmem:s21], [sflag:$0x2] =	stream.indirect.gather [hbm4b:s3+s11], $0x40, s1, s11, $0xb8;
	[tilespmem:$0x13400] =	vst v63  }
0x50: {  	s0 =	sadd.s32 $0x2000, s9;
	s14 =	simm.s32 $0x700;
	s1 =	simm.s32 $0x780  }
0x51: {  	[tilespmem:s23], [sflag:$0x2] =	stream.indirect.gather [hbm4b:s3+s11], $0x40, s14, s11, $0xb8;
	[tilespmem:$0x13400] =	vst v63  }
.LBB2_2:
0x52: {  	[tilespmem:s25], [sflag:$0x2] =	stream.indirect.gather [hbm4b:s3+s11], $0x40, s1, s11, $0xb8;
	[tilespmem:$0x13400] =	vst v63  }
0x53: {  	s1 =	smov.u32 s30  }
0x54: {  	p0 =	sne.s32 s30, $0xB000;
	s30 =	sadd.s32 $0x1000, s30;
	_ =	swait.ge [sflag:s26], $0x2000  }
0x55: {  	[sflag:s26] =	ssyncset.done $0x0  }
0x56: {  	[sflag:s26] =	ssyncadd.s32 $0xFFFFE000  }
0x57: {  	_ =	swait.ge [sflag:s26], $0x2000  }
0x58: {  	[sflag:s26] =	ssyncset.done $0x0  }
0x59: {  	[sflag:s26] =	ssyncadd.s32 $0xFFFFE000  }
0x5a: {  	_ =	swait.ge [sflag:s26], $0x2000  }
0x5b: {  	[sflag:s26] =	ssyncset.done $0x0  }
0x5c: {  	[sflag:s26] =	ssyncadd.s32 $0xFFFFE000  }
0x5d: {  	_ =	swait.ge [sflag:s26], $0x2000  }
0x5e: {  	[sflag:s26] =	ssyncset.done $0x0  }
0x5f: {  	[sflag:s26] =	ssyncadd.s32 $0xFFFFE000  }
0x60: {  	[hbm4b:s0+s2] =	stream.linear.scatter [tilespmem:s12], [sflag:$0x3], $0x8000, $0x38;
	[tilespmem:$0x13400] =	vst v63  }
0x61: {  	_ =	swait.ge [sflag:s10], $0x8000  }
0x62: {  	s1 =	sshra.s32 s1, $0x2;
	[sflag:s10] =	ssyncset.done $0x0  }
0x63: {  	s14 =	sadd.s32 $0x400, s1;
	[sflag:s10] =	ssyncadd.s32 $0xFFFF8000  }
0x64: {  	[tilespmem:s12], [sflag:$0x1] =	stream.indirect.gather [hbm4b:s3+s11], $0x40, s14, s11, $0xb8;
	[tilespmem:$0x13400] =	vst v63  }
0x65: {  	s14 =	sadd.s32 $0x480, s1  }
0x66: {  	[tilespmem:s13], [sflag:$0x1] =	stream.indirect.gather [hbm4b:s3+s11], $0x40, s14, s11, $0xb8;
	[tilespmem:$0x13400] =	vst v63  }
0x67: {  	s14 =	sadd.s32 $0x500, s1  }
0x68: {  	[tilespmem:s15], [sflag:$0x1] =	stream.indirect.gather [hbm4b:s3+s11], $0x40, s14, s11, $0xb8;
	[tilespmem:$0x13400] =	vst v63  }
0x69: {  	s14 =	sadd.s32 $0x580, s1  }
0x6a: {  	[tilespmem:s17], [sflag:$0x1] =	stream.indirect.gather [hbm4b:s3+s11], $0x40, s14, s11, $0xb8;
	[tilespmem:$0x13400] =	vst v63  }
0x6b: {  	_ =	swait.ge [sflag:s28], $0x2000  }
0x6c: {  	[sflag:s28] =	ssyncset.done $0x0  }
0x6d: {  	[sflag:s28] =	ssyncadd.s32 $0xFFFFE000  }
0x6e: {  	_ =	swait.ge [sflag:s28], $0x2000  }
0x6f: {  	[sflag:s28] =	ssyncset.done $0x0  }
0x70: {  	[sflag:s28] =	ssyncadd.s32 $0xFFFFE000  }
0x71: {  	_ =	swait.ge [sflag:s28], $0x2000  }
0x72: {  	[sflag:s28] =	ssyncset.done $0x0  }
0x73: {  	[sflag:s28] =	ssyncadd.s32 $0xFFFFE000  }
0x74: {  	_ =	swait.ge [sflag:s28], $0x2000  }
0x75: {  	[sflag:s28] =	ssyncset.done $0x0  }
0x76: {  	[sflag:s28] =	ssyncadd.s32 $0xFFFFE000  }
0x77: {  	[hbm4b:s31+s2] =	stream.linear.scatter [tilespmem:s19], [sflag:$0x3], $0x8000, $0x38;
	[tilespmem:$0x13400] =	vst v63  }
0x78: {  	_ =	swait.ge [sflag:s10], $0x8000  }
0x79: {  	[sflag:s10] =	ssyncset.done $0x0  }
0x7a: {  	s14 =	sadd.s32 $0x600, s1;
	[sflag:s10] =	ssyncadd.s32 $0xFFFF8000  }
0x7b: {  	[tilespmem:s19], [sflag:$0x2] =	stream.indirect.gather [hbm4b:s3+s11], $0x40, s14, s11, $0xb8;
	[tilespmem:$0x13400] =	vst v63  }
.Ltmp0:
0x7c: {  	s14 =	sadd.s32 $0x680, s1;
	(pc) =	sbr.rel @p0 .LBB2_2-.Ltmp0, $4  }
0x7d: {  	[tilespmem:s21], [sflag:$0x2] =	stream.indirect.gather [hbm4b:s3+s11], $0x40, s14, s11, $0xb8;
	[tilespmem:$0x13400] =	vst v63  }
0x7e: {  	s14 =	sadd.s32 $0x700, s1  }
0x7f: {  	[tilespmem:s23], [sflag:$0x2] =	stream.indirect.gather [hbm4b:s3+s11], $0x40, s14, s11, $0xb8;
	[tilespmem:$0x13400] =	vst v63  }
0x80: {  	s0 =	sadd.s32 $0x2000, s0;
	s31 =	sadd.s32 $0x2000, s31;
	s1 =	sadd.s32 $0x780, s1  }
0x81: {  	[tilespmem:s25], [sflag:$0x2] =	stream.indirect.gather [hbm4b:s3+s11], $0x40, s1, s11, $0xb8;
	[tilespmem:$0x13400] =	vst v63  }
0x82: {  	_ =	swait.ge [sflag:s26], $0x2000  }
0x83: {  	[sflag:s26] =	ssyncset.done $0x0  }
0x84: {  	[sflag:s26] =	ssyncadd.s32 $0xFFFFE000  }
0x85: {  	_ =	swait.ge [sflag:s26], $0x2000  }
0x86: {  	[sflag:s26] =	ssyncset.done $0x0  }
0x87: {  	[sflag:s26] =	ssyncadd.s32 $0xFFFFE000  }
0x88: {  	_ =	swait.ge [sflag:s26], $0x2000  }
0x89: {  	[sflag:s26] =	ssyncset.done $0x0  }
0x8a: {  	[sflag:s26] =	ssyncadd.s32 $0xFFFFE000  }
0x8b: {  	_ =	swait.ge [sflag:s26], $0x2000  }
0x8c: {  	[sflag:s26] =	ssyncset.done $0x0  }
0x8d: {  	[sflag:s26] =	ssyncadd.s32 $0xFFFFE000  }
0x8e: {  	[hbm4b:s5+s2] =	stream.linear.scatter [tilespmem:s12], [sflag:$0x3], $0x8000, $0x38;
	[tilespmem:$0x13400] =	vst v63  }
0x8f: {  	_ =	swait.ge [sflag:s10], $0x8000  }
0x90: {  	[sflag:s10] =	ssyncset.done $0x0  }
0x91: {  	[sflag:s10] =	ssyncadd.s32 $0xFFFF8000  }
0x92: {  	_ =	swait.ge [sflag:s28], $0x2000  }
0x93: {  	[sflag:s28] =	ssyncset.done $0x0  }
0x94: {  	[sflag:s28] =	ssyncadd.s32 $0xFFFFE000  }
0x95: {  	_ =	swait.ge [sflag:s28], $0x2000  }
0x96: {  	[sflag:s28] =	ssyncset.done $0x0  }
0x97: {  	[sflag:s28] =	ssyncadd.s32 $0xFFFFE000  }
0x98: {  	_ =	swait.ge [sflag:s28], $0x2000  }
0x99: {  	[sflag:s28] =	ssyncset.done $0x0  }
0x9a: {  	[sflag:s28] =	ssyncadd.s32 $0xFFFFE000  }
0x9b: {  	s29 =	sadd.s32 $0x1, s29;
	_ =	swait.ge [sflag:s28], $0x2000  }
0x9c: {  	p0 =	sne.s32 s29, s7;
	[sflag:s28] =	ssyncset.done $0x0  }
.Ltmp1:
0x9d: {  	[sflag:s28] =	ssyncadd.s32 $0xFFFFE000;
	(pc) =	sbr.rel @p0 .LBB2_1-.Ltmp1, $4  }
0x9e: {  	[hbm4b:s6+s2] =	stream.linear.scatter [tilespmem:s19], [sflag:$0x3], $0x8000, $0x38;
	[tilespmem:$0x13400] =	vst v63  }
0x9f: {  	_ =	swait.ge [sflag:s10], $0x8000  }
0xa0: {  	[sflag:s10] =	ssyncset.done $0x0  }
0xa1: {  	[sflag:s10] =	ssyncadd.s32 $0xFFFF8000  }
0xa2: {  	_ =	sfence.sel $0x180000  }
0xa3: {  	[bflag:$0x0] =	sbarrier.arrive $0xFFFF  }
0xa4: {  	_ =	strace $0x90000047  }
0xa5: {  	s0 =	stileid.u32;
	[bflag:$0x2] =	sbarrier.arrive $0xFFFF  }
0xa6: {  	p0 =	sne.s32 s0, $0x0;
	s0 =	rddreg [dreg:$0x2]  }
0xa7: {  	s0 =	sadd.s32 @!p0 $0x100000, s0  }
0xa8: {  	[sflag:s0] =	ssyncadd.tile.s32 @!p0 $0x1;
	_ =	shalt  }
.Lfunc_end2:
_tile_overlayer_lowered:
.L_overlay_start_2:
0xa9: {  	(tag) =	ssettag $0x2  }
0xaa: {  	s0 =	rddreg [dreg:$0x0];
	s2 =	stileid.u32  }
0xab: {  	s1 =	rddreg [dreg:$0x1];
	p0 =	sne.s32 s2, $0x0  }
0xac: {  	s3 =	rddreg [dreg:$0x2];
	[bflag:$0x3] =	sbarrier.arrive $0xFFFF;
	s2 =	simm.s32 @!p0 $0x1C03  }
0xad: {  	[timem:s3], [sflag:s2] =	dma.local @!p0 [hbm:s0], s1  }
0xae: {  	s0 =	simm.s32 @!p0 $0x3  }
0xaf: {  	_ =	swait.ge @!p0 [sflag:s0], s1  }
0xb0: {  	s1 =	ssub.s32 @!p0 $0x0, s1;
	[sflag:s0] =	ssyncset.done @!p0 $0x0  }
0xb1: {  	[sflag:s0] =	ssyncadd.s32 @!p0 s1  }
0xb2: {  	[bflag:$0x3] =	sbarrier.arrive $0xFFFF  }
0xb3: {  	_ =	shalt  }

// kernel: sparse-core-data-format-call.cloned.1.call-start
scs
called_computation_lowered:
.L_overlay_start_0:
0x0: {  	s2 =	sld [smem:$0x3FD9]  }
0x1: {  	s3 =	sld [smem:$0x3FFE];
	_ =	sdelay $0x1  }
0x2: {  	s1 =	srdreg.scid  }
0x3: {  	s0 =	sand.u32 $0x1, s1  }
0x4: {  	s18 =	sshll.u32 s0, $0xA;
	s2 =	sadd.s32 s3, s2  }
0x5: {  	s2 =	sadd.s32 s2, s18  }
0x6: {  	[smem:$0x3FC6] =	sst s2  }
0x7: {  	_ = 	snop  }
0x8: {  	s2 =	sld [smem:$0x3FD0];
	(tm) =	ssettm $0x1  }
0x9: {  	s19 =	sld [smem:$0x3FFB];
	_ =	sdelay $0x3  }
0xa: {  	_ =	strace s19  }
0xb: {  	s3 =	sld [smem:$0x3FFC];
	_ =	sdelay $0x3  }
0xc: {  	_ =	strace s3  }
0xd: {  	s3 =	sld [smem:$0x3FFD];
	_ =	sdelay $0x3  }
0xe: {  	_ =	strace s3  }
0xf: {  	_ =	strace $0x8FFFFFFF  }
0x10: {  	s20 =	sld [smem:$0x3FDB];
	_ =	sdelay $0x1  }
0x11: {  	s4 =	simm.s32 $_scs_section_size  }
0x12: {  	s5 =	simm.s32 $_size__tile_overlayer_lowered;
	s6 =	simm.s32 $_tile_overlayer_lowered  }
0x13: {  	s23 =	simm.s32 $0x1BFF;
	s22 =	sshll.u32 s6, $0x1;
	s3 =	sadd.s32 s4, s20  }
0x14: {  	s7 =	simm.s32 $0x0;
	s21 =	sshll.u32 s5, $0x1;
	s5 =	sadd.s32 s22, s3  }
0x15: {  	[timem:s7], [sflag:s23] =	dma.local [hbm:s5], s21  }
0x16: {  	_ =	swait.ge [sflag:s23], s21  }
0x17: {  	s4 =	ssub.s32 $0x0, s21;
	[sflag:s23] =	ssyncset.done $0x0  }
0x18: {  	[sflag:s23] =	ssyncadd.s32 s4;
	_ =	sdelay $0x1  }
0x19: {  	s24 =	simm.s32 $0x1B8B  }
0x1a: {  	_ =	swait.ge [sflag:s24], $0x1  }
0x1b: {  	[sflag:s24] =	ssyncset.done $0x0  }
0x1c: {  	s26 =	simm.s32 $0x1B8E;
	s25 =	sld [smem:$0x3FFE];
	[sflag:s24] =	ssyncadd.s32 $0xFFFFFFFF  }
0x1d: {  	s27 =	simm.s32 $execute0_lowered;
	[smem:$0x3FD2] =	sst s26  }
0x1e: {  	s5 =	sshll.u32 s27, $0x1;
	_ =	strace $0x80000049;
	[dreg:$0x1] =	wrdreg $0xFFFFFFFF  }
0x1f: {  	s28 =	simm.s32 $_size_execute0_lowered;
	s3 =	sadd.s32 s3, s5;
	[dreg:$0x0] =	wrdreg $0x0  }
0x20: {  	s5 =	sshll.u32 s28, $0x1;
	[dreg:$0x2] =	wrdreg s3  }
0x21: {  	[dreg:$0x3] =	wrdreg s5  }
0x22: {  	[dreg:$0x4] =	wrdreg $0xC0  }
0x23: {  	_ =	task [dreg:s7], $0x5FFFF  }
0x24: {  	[dreg:$0x1] =	wrdreg $0xFFFFFFFF  }
0x25: {  	[dreg:$0x0] =	wrdreg $0x60  }
0x26: {  	[dreg:$0x2] =	wrdreg s25  }
0x27: {  	[dreg:$0x3] =	wrdreg s2  }
0x28: {  	[dreg:$0x4] =	wrdreg $0x9  }
0x29: {  	_ =	task.clear_ibuf [dreg:s7], $0x5FFFF;
	_ =	strace $0x90000049  }
0x2a: {  	s29 =	simm.s32 $0x9;
	_ =	strace $0x8000004B  }
0x2b: {  	_ =	swait.ge [sflag:s29], $0x1  }
0x2c: {  	[sflag:s29] =	ssyncadd.s32 $0xFFFFFFFF  }
0x2d: {  	_ =	strace $0x9000004B  }
0x2e: {  	_ =	sfence  }
0x2f: {  	s30 =	sld [smem:$0x0];
	_ =	sdelay $0x2  }
0x30: {  	s31 =	sshll.u32 s1, $0xD;
	s1 =	sshrl.u32 s1, $0x2  }
0x31: {  	s3 =	sand.u32 $0x4000, s31;
	s1 =	sadd.s32 s1, s30  }
0x32: {  	s0 =	sor.u32 s3, s0;
	s1 =	sshll.u32 s1, $0x11  }
0x33: {  	s0 =	sor.u32 s1, s0  }
0x34: {  	s0 =	sadd.s32 $0x8F2B, s0  }
0x35: {  	[sflag:s0] =	ssyncadd.remote.s32 $0x1  }
0x36: {  	_ =	sfence.sel $0xFFFF  }
0x37: {  	[dreg:$0x0] =	wrdreg $0xFFFFFFFF;
	(pc) =	sbr.abs _section_cstart, $3  }
0x38: {  	[dreg:$0x1] =	wrdreg $0xFFFFFFFF  }
0x39: {  	_ =	task.clear_ibuf [dreg:s7], $0x2FFFF;
	_ =	strace $0x9FFFFFFF  }
0x3a: {  	(tm) =	ssettm $0x7FFFFFFF  }
0x3b: {  	_ =	shalt  }
tec
execute0_lowered:
.L_overlay_start_1:
0x0: {  	(tag) =	ssettag $0x1  }
0x1: {  	s0 =	srdreg.scid  }
0x2: {  	s1 =	sshll.u32 s0, $0x4  }
0x3: {  	s0 =	stileid.u32;
	s1 =	sand.u32 $0x10, s1  }
0x4: {  	s1 =	sor.u32 s0, s1  }
0x5: {  	s6 =	rddreg [dreg:$0x0];
	s4 =	simm.s32 $0x1;
	s2 =	sshll.u32 s1, $0x7  }
0x6: {  	s7 =	simm.s32 $0x2;
	s12 =	simm.s32 $0x0;
	s1 =	ssub.s32 $0x4000, s2  }
0x7: {  	s8 =	simm.s32 $0x20000;
	s13 =	simm.s32 $0x0;
	s3 =	sand.u32 $0xF80, s1  }
0x8: {  	s9 =	simm.s32 $0x0;
	s5 =	sshrl.u32 s1, $0xC;
	p0 =	sne.s32 s3, $0x0  }
.Ltmp0:
0x9: {  	s1 =	rddreg [dreg:$0x2];
	s4 =	simm.s32 @!p0 $0x0;
	(pc) =	sbr.rel .LBB1_1-.Ltmp0, $4  }
0xa: {  	s11 =	simm.s32 $0x0;
	s3 =	rddreg [dreg:$0x1];
	s5 =	sadd.s32 s4, s5  }
0xb: {  	_ =	strace $0x8000004A;
	s4 =	simm.s32 $0x1;
	s5 =	smul.u32 $0x1A, s5  }
0xc: {  	s6 =	sadd.s32 $0xA00, s6;
	s10 =	smov.u32 s2;
	[sflag:s4] =	ssyncpa.u1 $0x0  }
0xd: {  	p0 =	por $0x0, $0x0;
	[sflag:s7] =	ssyncpa.u1 $0x0;
	s7 =	sor.u32 $0x1, s5  }
.LBB1_4:
0xe: {  	s16 =	sshll.u32 s13, $0x3;
	s17 =	sand.u32 $0x78, s13  }
0xf: {  	s30 =	sand.u32 $0x1F800, s13;
	s12 =	sshll.u32 s12, $0x11;
	s16 =	sand.u32 $0x3C00, s16  }
0x10: {  	[tilespmem:s15+$0x810 ss:$0x81] =	vst.msk $0xffff, v2;
	s31 =	sand.u32 $0x7, s13;
	s16 =	sor.u32 s17, s16;
	s17 =	sadd.s32 s3, s30  }
0x11: {  	[tilespmem:s15+$0x1020 ss:$0x81] =	vst.msk $0xffff, v0;
	s13 =	sshll.u32 s31, $0x12;
	s12 =	sadd.s32 s12, s17;
	s16 =	sshrl.u32 s16, $0x3  }
0x12: {  	[tilespmem:s15+$0x0 ss:$0x81] =	vst.msk $0xffff, v1;
	s13 =	sor.u32 $0x400, s13;
	s12 =	sadd.s32 s16, s12  }
0x13: {  	[hbm4b:s12+s13] =	stream.strided.scatter [tilespmem:s14], [sflag:$0x2], $0x2000, s8, s13, $0x20;
	[tilespmem:$0x8080] =	vst v63  }
.LBB1_5:
0x14: {  	s14 =	sadd.s32 $0x1, s9  }
0x15: {  	s12 =	sadd.s32 $0x1000, s10;
	s16 =	smov.u32 s10;
	p2 =	sgt.s32 s14, $0x19  }
0x16: {  	s16 =	smov.u32 @p2 s12  }
0x17: {  	s14 =	simm.s32 @p2 $0x0;
	p2 =	sgt.s32 s16, $0x3FFF  }
0x18: {  	s16 =	smov.u32 @p2 s2;
	p2 =	sne.s32 s11, s7  }
.Ltmp1:
0x19: {  	p1 =	slt.u32 s11, $0x2;
	(pc) =	sbr.rel @!p2 .LBB1_6-.Ltmp1, $4  }
0x1a: {  	s15 =	simm.s32 @!p1 $0x2  }
0x1b: {  	s13 =	smov.u32 s10;
	p0 =	por !p0, !p0;
	_ =	swait.ge @!p1 [sflag:s15], $0x2000  }
0x1c: {  	s12 =	smov.u32 s9;
	[sflag:s15] =	ssyncset.done @!p1 $0x0;
	s9 =	smov.u32 s14  }
0x1d: {  	s11 =	sadd.s32 $0x1, s11;
	[sflag:s15] =	ssyncadd.s32 @!p1 $0xFFFFE000;
	s10 =	smov.u32 s16  }
.LBB1_1:
0x1e: {  	p1 =	sge.u32 s11, s5  }
0x1f: {  	s31 =	sadd.s32 $0xFFFFFFFF, s11;
	s14 =	sxor.u32 @!p1 $0xFFFFFFFF, s11  }
0x20: {  	s15 =	sshll.u32 @!p1 s10, $0x9;
	s16 =	sshll.u32 @!p1 s9, $0x4;
	s17 =	simm.s32 @!p1 $0x1000  }
0x21: {  	s14 =	sshll.u32 @!p1 s14, $0xD;
	s16 =	sand.u32 @!p1 $0x1F0, s16;
	s15 =	sadd.s32 @!p1 s6, s15  }
0x22: {  	s14 =	sand.u32 @!p1 $0x2000, s14;
	s15 =	sadd.s32 @!p1 s16, s15;
	s16 =	simm.s32 @!p1 $0x40  }
0x23: {  	[tilespmem:s14], [sflag:$0x1] =	stream.strided.gather @!p1 [hbm4b:s15+s16], $0x2000, s17, s16, $0x38;
	[tilespmem:$0x8080] =	vst v63  }
0x24: {  	p1 =	sge.u32 s31, s5  }
.Ltmp2:
0x25: {  	_ = 	snop;
	(pc) =	sbr.rel @p1 .LBB1_5-.Ltmp2, $1  }
0x26: {  	_ =	sdelay $0x3  }
0x27: {  	s14 =	simm.s32 $0x1  }
0x28: {  	_ =	swait.ge [sflag:s4], $0x2000;
	s14 =	simm.s32 @!p0 $0x0  }
0x29: {  	[sflag:s4] =	ssyncset.done $0x0;
	s15 =	sshll.u32 s14, $0xD  }
0x2a: {  	[sflag:s4] =	ssyncadd.s32 $0xFFFFE000;
	s18 =	sor.u32 $0x20, s15  }
0x2b: {  	s14 =	smul.u32 $0x8100, s14;
	v3 =	vld [tilespmem:s18+$0x10]  }
0x2c: {  	s30 =	sand.u32 $0x1, s11;
	v2 =	vld [tilespmem:s18+$0xFFFFFFF0]  }
0x2d: {  	s15 =	smul.u32 $0x8100, s30;
	s14 =	sshrl.u32 s14, $0x2;
	v0 =	vld [tilespmem:s18+$0x0]  }
0x2e: {  	v1 =	vld [tilespmem:s18+$0xFFFFFFE0];
	s16 =	sor.u32 $0x4000, s14  }
0x2f: {  	s31 =	sshrl.u32 s15, $0x2;
	s15 =	sadd.s32 $0x0, s16  }
0x30: {  	s17 =	simm.s32 $0x4;
	s18 =	sadd.s32 $0x40, s18;
	s14 =	sor.u32 $0x4000, s31;
	[tilespmem:s15+$0x1830 ss:$0x81] =	vst.msk $0xffff, v3  }
.LBB1_3:
0x31: {  	v3 =	vld [tilespmem:s18+$0x10];
	p1 =	sne.s32 s17, $0x1FC;
	[tilespmem:s15+$0x810 ss:$0x81] =	vst.msk $0xffff, v2;
	s19 =	smov.u32 s17;
	s17 =	sadd.s32 $0x4, s17  }
.Ltmp3:
0x32: {  	v2 =	vld [tilespmem:s18+$0xFFFFFFF0];
	[tilespmem:s15+$0x1020 ss:$0x81] =	vst.msk $0xffff, v0;
	(pc) =	sbr.rel @p1 .LBB1_3-.Ltmp3, $4  }
0x33: {  	v0 =	vld [tilespmem:s18+$0x0];
	[tilespmem:s15+$0x0 ss:$0x81] =	vst.msk $0xffff, v1  }
0x34: {  	s15 =	sshra.s32 s19, $0x2;
	v1 =	vld [tilespmem:s18+$0xFFFFFFE0]  }
0x35: {  	s15 =	sadd.s32 s15, s16  }
0x36: {  	s18 =	sadd.s32 $0x40, s18;
	[tilespmem:s15+$0x1830 ss:$0x81] =	vst.msk $0xffff, v3  }
.Ltmp4:
0x37: {  	_ = 	snop;
	(pc) =	sbr.rel .LBB1_4-.Ltmp4, $1  }
0x38: {  	_ =	sdelay $0x3  }
.LBB1_6:
0x39: {  	_ =	sfence.sel $0x180000  }
0x3a: {  	s2 =	simm.s32 $0x1;
	[bflag:$0x0] =	sbarrier.arrive $0xFFFF  }
0x3b: {  	s31 =	simm.s32 $0x2;
	[sflag:s2] =	ssyncpa.u1 $0x1  }
0x3c: {  	[sflag:s31] =	ssyncpa.u1 $0x1  }
0x3d: {  	p0 =	sne.s32 s0, $0x0;
	_ =	strace $0x9000004A  }
0x3e: {  	s0 =	sadd.s32 @!p0 $0x100000, s1;
	[bflag:$0x2] =	sbarrier.arrive $0xFFFF  }
0x3f: {  	[sflag:s0] =	ssyncadd.tile.s32 @!p0 $0x1;
	_ =	shalt  }
.Lfunc_end1:
_tile_overlayer_lowered:
.L_overlay_start_2:
0x40: {  	(tag) =	ssettag $0x2  }
0x41: {  	s0 =	rddreg [dreg:$0x0];
	s2 =	stileid.u32  }
0x42: {  	s1 =	rddreg [dreg:$0x1];
	p0 =	sne.s32 s2, $0x0  }
0x43: {  	s3 =	rddreg [dreg:$0x2];
	[bflag:$0x3] =	sbarrier.arrive $0xFFFF;
	s2 =	simm.s32 @!p0 $0x1C01  }
0x44: {  	[timem:s3], [sflag:s2] =	dma.local @!p0 [hbm:s0], s1  }
0x45: {  	s0 =	simm.s32 @!p0 $0x1  }
0x46: {  	_ =	swait.ge @!p0 [sflag:s0], s1  }
0x47: {  	s1 =	ssub.s32 @!p0 $0x0, s1;
	[sflag:s0] =	ssyncset.done @!p0 $0x0  }
0x48: {  	[sflag:s0] =	ssyncadd.s32 @!p0 s1  }
0x49: {  	[bflag:$0x3] =	sbarrier.arrive $0xFFFF  }
0x4a: {  	_ =	shalt  }

</sc_bundles>
